<compile_context>
chip_gen: v7x
topology: tpu7x:2x2x1
jax: 0.10.2.dev20260603
libtpu: 0.0.44.dev20260713+nightly
codegen_flags: <defaults>
</compile_context>

<pallas_src>
import functools

import jax
import jax.numpy as jnp
from jax import lax
from jax.experimental import pallas as pl
from jax.experimental.pallas import tpu as pltpu
from jax.experimental.pallas import tpu_sc as plsc

VOCAB = 1000000
DIM = 64
B = 4096
L = 200

NC = 2
NS = 16
NW = NC * NS
LANES = 16

BBLK = B // NW
STEPS = L
NBUF = 4
GROUPS = STEPS // NBUF
NTB = 2
TPITCH = BBLK + 1


def _sc_gather(tableA, tableB, idxT):
    mesh = plsc.VectorSubcoreMesh(core_axis_name="c", subcore_axis_name="s")

    @functools.partial(
        pl.kernel,
        mesh=mesh,
        out_type=jax.ShapeDtypeStruct((L, DIM // 8, B // 128, 8, 128), jnp.float32),
        compiler_params=pltpu.CompilerParams(
            use_tc_tiling_on_sc=False, needs_layout_passes=False
        ),
        scratch_types=[pltpu.VMEM((BBLK,), jnp.int32) for _ in range(NBUF)]
        + [pltpu.VMEM((BBLK, DIM // 2), jnp.float32) for _ in range(NBUF)]
        + [pltpu.VMEM((BBLK, DIM // 2), jnp.float32) for _ in range(NBUF)]
        + [pltpu.VMEM((DIM // 8, 8, TPITCH), jnp.float32) for _ in range(NTB)]
        + [pltpu.SemaphoreType.DMA for _ in range(2 * NBUF + NTB)],
    )
    def k(ta_hbm, tb_hbm, idx_hbm, out_hbm, *scratch):
        ib = list(scratch[:NBUF])
        ga = list(scratch[NBUF : 2 * NBUF])
        gbb = list(scratch[2 * NBUF : 3 * NBUF])
        tb = list(scratch[3 * NBUF : 3 * NBUF + NTB])
        isems = list(scratch[3 * NBUF + NTB : 4 * NBUF + NTB])
        gsems = list(scratch[4 * NBUF + NTB : 5 * NBUF + NTB])
        wsems = list(scratch[5 * NBUF + NTB : 5 * NBUF + 2 * NTB])

        wid = lax.axis_index("s") * NC + lax.axis_index("c")

        iota = lax.iota(jnp.int32, LANES)
        d0 = [(cg * LANES + iota) >> 3 for cg in range(DIM // LANES)]
        d1 = [(cg * LANES + iota) & 7 for cg in range(DIM // LANES)]
        def i_start(l, b):
            pltpu.async_copy(idx_hbm.at[l, pl.ds(wid * BBLK, BBLK)], ib[b], isems[b])

        def i_wait(l, b):
            pltpu.make_async_copy(
                idx_hbm.at[l, pl.ds(wid * BBLK, BBLK)], ib[b], isems[b]
            ).wait()

        def g_start(l, b):
            i_wait(l, b)
            pltpu.async_copy(ta_hbm.at[ib[b]], ga[b], gsems[b])
            pltpu.async_copy(tb_hbm.at[ib[b]], gbb[b], gsems[b])

        def g_wait(b):
            pltpu.make_async_copy(ta_hbm.at[ib[b]], ga[b], gsems[b]).wait()
            pltpu.make_async_copy(tb_hbm.at[ib[b]], gbb[b], gsems[b]).wait()

        ROWU = 4

        def transpose(b, tbi):
            def perrows(r, carry):
                b0 = r * ROWU
                for u in range(ROWU):
                    vb0 = jnp.full((LANES,), b0 + u, jnp.int32)
                    halves = [ga[b], ga[b], gbb[b], gbb[b]]
                    vals = [
                        halves[cg][b0 + u, pl.ds((cg % 2) * LANES, LANES)]
                        for cg in range(DIM // LANES)
                    ]
                    for cg in range(DIM // LANES):
                        plsc.store_scatter(tb[tbi], [d0[cg], d1[cg], vb0], vals[cg])
                return carry

            lax.fori_loop(0, BBLK // ROWU, perrows, 0)

        def w_start(l, tbi):
            pltpu.async_copy(
                tb[tbi].at[pl.ds(0, DIM // 8), pl.ds(0, 8), pl.ds(0, BBLK)],
                out_hbm.at[l, pl.ds(0, DIM // 8), wid],
                wsems[tbi],
            )

        def w_wait(l, tbi):
            pltpu.make_async_copy(
                tb[tbi].at[pl.ds(0, DIM // 8), pl.ds(0, 8), pl.ds(0, BBLK)],
                out_hbm.at[l, pl.ds(0, DIM // 8), wid],
                wsems[tbi],
            ).wait()

        for b in range(NBUF):
            i_start(b, b)
        for b in range(NBUF):
            g_start(b, b)

        def group(g, carry):
            l0 = g * NBUF
            for b in range(NBUF):
                tbi = b % NTB
                g_wait(b)
                lprev = l0 + b - NTB

                @pl.when(lprev >= 0)
                def _():
                    w_wait(lprev, tbi)

                transpose(b, tbi)
                w_start(l0 + b, tbi)
                nxt = l0 + NBUF + b

                @pl.when(nxt < STEPS)
                def _():
                    i_start(nxt, b)

            for b in range(NBUF):
                nxt = l0 + NBUF + b

                @pl.when(nxt < STEPS)
                def _():
                    g_start(nxt, b)

            return carry

        lax.fori_loop(0, GROUPS, group, 0)
        for t in range(NTB):
            w_wait(STEPS - NTB + t, (NBUF - NTB + t) % NTB)

    return k(tableA, tableB, idxT)


def kernel(X_word, X_char, word_embed):
    del X_char
    idxT = X_word.T
    out5d = _sc_gather(word_embed[:, : DIM // 2], word_embed[:, DIM // 2 :], idxT)
    return out5d.transpose(2, 4, 0, 1, 3).reshape(B, L, DIM)

# --- scband reference (transcript-rebuilt; emitter-appended) ---
"""Pipeline reference for scband-word-representer-75746043232434 (READ-ONLY COPY).

The authoritative reference and input builder live on the scoring server;
editing this copy changes nothing except your own understanding.
"""

import jax, jax.numpy as jnp
import numpy as np

VOCAB = 1000000
DIM = 64
B = 4096
L = 200
CHAR_L = 15

def setup_inputs(seed: int = 0) -> dict:
    key = jax.random.key(seed)
    k1, k2, k3 = jax.random.split(key, 3)
    X_word = jax.random.randint(k1, (B, L), 0, VOCAB, dtype=jnp.int64 if jax.config.jax_enable_x64 else jnp.int32).astype(jnp.int32)
    X_char = jax.random.randint(k2, (B, L, CHAR_L), 0, 100).astype(jnp.int32)
    word_embed = jax.random.normal(k3, (VOCAB, DIM), dtype=jnp.float32) * 0.02
    return {"X_word": X_word, "X_char": X_char, "word_embed": word_embed}

def reference(X_word, X_char, word_embed):
    # char_cnn_flag is False -> only the word-embedding branch runs.
    # Dropout is identity in eval mode.
    X = jnp.take(word_embed, X_word, axis=0)
    return X

if __name__ == "__main__":
    import jax
    _d = setup_inputs()
    print(jax.jit(kernel)(*tuple(_d.values())))

</pallas_src>

<mosaic_0001>
#map = affine_map<(d0, d1) -> (0, 0)>
#map1 = affine_map<(d0, d1) -> (0, 0, 0, 0, 0)>
module attributes {stable_mosaic.version = 14 : i64} {
  func.func @k(%arg0: i32, %arg1: i32, %arg2: memref<1000000x32xf32, #tpu.memory_space<hbm>>, %arg3: memref<1000000x32xf32, #tpu.memory_space<hbm>>, %arg4: memref<200x4096xi32, #tpu.memory_space<hbm>>, %arg5: memref<200x8x32x8x128xf32, #tpu.memory_space<hbm>>, %arg6: memref<128xi32, #tpu.memory_space<vmem>>, %arg7: memref<128xi32, #tpu.memory_space<vmem>>, %arg8: memref<128xi32, #tpu.memory_space<vmem>>, %arg9: memref<128xi32, #tpu.memory_space<vmem>>, %arg10: memref<128x32xf32, #tpu.memory_space<vmem>>, %arg11: memref<128x32xf32, #tpu.memory_space<vmem>>, %arg12: memref<128x32xf32, #tpu.memory_space<vmem>>, %arg13: memref<128x32xf32, #tpu.memory_space<vmem>>, %arg14: memref<128x32xf32, #tpu.memory_space<vmem>>, %arg15: memref<128x32xf32, #tpu.memory_space<vmem>>, %arg16: memref<128x32xf32, #tpu.memory_space<vmem>>, %arg17: memref<128x32xf32, #tpu.memory_space<vmem>>, %arg18: memref<8x8x129xf32, #tpu.memory_space<vmem>>, %arg19: memref<8x8x129xf32, #tpu.memory_space<vmem>>, %arg20: memref<!tpu.dma_semaphore, #tpu.memory_space<semaphore_mem>>, %arg21: memref<!tpu.dma_semaphore, #tpu.memory_space<semaphore_mem>>, %arg22: memref<!tpu.dma_semaphore, #tpu.memory_space<semaphore_mem>>, %arg23: memref<!tpu.dma_semaphore, #tpu.memory_space<semaphore_mem>>, %arg24: memref<!tpu.dma_semaphore, #tpu.memory_space<semaphore_mem>>, %arg25: memref<!tpu.dma_semaphore, #tpu.memory_space<semaphore_mem>>, %arg26: memref<!tpu.dma_semaphore, #tpu.memory_space<semaphore_mem>>, %arg27: memref<!tpu.dma_semaphore, #tpu.memory_space<semaphore_mem>>, %arg28: memref<!tpu.dma_semaphore, #tpu.memory_space<semaphore_mem>>, %arg29: memref<!tpu.dma_semaphore, #tpu.memory_space<semaphore_mem>>) attributes {dimension_semantics = [#tpu.dimension_semantics<core_parallel>, #tpu.dimension_semantics<subcore_parallel>], iteration_bounds = array<i64: 2, 16>, scalar_prefetch = 0 : i64, scratch_operands = 24 : i64, tpu.core_type = #tpu.core_type<sc_vector_subcore>, window_params = [{transform_indices = #map}, {transform_indices = #map}, {transform_indices = #map}, {transform_indices = #map1}]} {
    %mul3A = arith.constant 2 : i32
    %mul3A_0 = arith.muli %arg1, %mul3A : i32
    %add3A = arith.addi %mul3A_0, %arg0 : i32
    %iota3A = tpu.iota {dimensions = array<i32: 0>} : vector<16xi32>
    %add3A_1 = arith.constant 0 : i32
    %add3A_2 = vector.broadcast %add3A_1 : i32 to vector<16xi32>
    %add3A_3 = arith.addi %add3A_2, %iota3A : vector<16xi32>
    %shift_right_arithmetic3A = arith.constant 3 : i32
    %shift_right_arithmetic3A_4 = vector.broadcast %shift_right_arithmetic3A : i32 to vector<16xi32>
    %shift_right_arithmetic3A_5 = arith.shrsi %add3A_3, %shift_right_arithmetic3A_4 : vector<16xi32>
    %add3A_6 = arith.constant 16 : i32
    %add3A_7 = vector.broadcast %add3A_6 : i32 to vector<16xi32>
    %add3A_8 = arith.addi %add3A_7, %iota3A : vector<16xi32>
    %shift_right_arithmetic3A_9 = arith.constant 3 : i32
    %shift_right_arithmetic3A_10 = vector.broadcast %shift_right_arithmetic3A_9 : i32 to vector<16xi32>
    %shift_right_arithmetic3A_11 = arith.shrsi %add3A_8, %shift_right_arithmetic3A_10 : vector<16xi32>
    %add3A_12 = arith.constant 32 : i32
    %add3A_13 = vector.broadcast %add3A_12 : i32 to vector<16xi32>
    %add3A_14 = arith.addi %add3A_13, %iota3A : vector<16xi32>
    %shift_right_arithmetic3A_15 = arith.constant 3 : i32
    %shift_right_arithmetic3A_16 = vector.broadcast %shift_right_arithmetic3A_15 : i32 to vector<16xi32>
    %shift_right_arithmetic3A_17 = arith.shrsi %add3A_14, %shift_right_arithmetic3A_16 : vector<16xi32>
    %add3A_18 = arith.constant 48 : i32
    %add3A_19 = vector.broadcast %add3A_18 : i32 to vector<16xi32>
    %add3A_20 = arith.addi %add3A_19, %iota3A : vector<16xi32>
    %shift_right_arithmetic3A_21 = arith.constant 3 : i32
    %shift_right_arithmetic3A_22 = vector.broadcast %shift_right_arithmetic3A_21 : i32 to vector<16xi32>
    %shift_right_arithmetic3A_23 = arith.shrsi %add3A_20, %shift_right_arithmetic3A_22 : vector<16xi32>
    %add3A_24 = arith.constant 0 : i32
    %add3A_25 = vector.broadcast %add3A_24 : i32 to vector<16xi32>
    %add3A_26 = arith.addi %add3A_25, %iota3A : vector<16xi32>
    %and3A = arith.constant 7 : i32
    %and3A_27 = vector.broadcast %and3A : i32 to vector<16xi32>
    %and3A_28 = arith.andi %add3A_26, %and3A_27 : vector<16xi32>
    %add3A_29 = arith.constant 16 : i32
    %add3A_30 = vector.broadcast %add3A_29 : i32 to vector<16xi32>
    %add3A_31 = arith.addi %add3A_30, %iota3A : vector<16xi32>
    %and3A_32 = arith.constant 7 : i32
    %and3A_33 = vector.broadcast %and3A_32 : i32 to vector<16xi32>
    %and3A_34 = arith.andi %add3A_31, %and3A_33 : vector<16xi32>
    %add3A_35 = arith.constant 32 : i32
    %add3A_36 = vector.broadcast %add3A_35 : i32 to vector<16xi32>
    %add3A_37 = arith.addi %add3A_36, %iota3A : vector<16xi32>
    %and3A_38 = arith.constant 7 : i32
    %and3A_39 = vector.broadcast %and3A_38 : i32 to vector<16xi32>
    %and3A_40 = arith.andi %add3A_37, %and3A_39 : vector<16xi32>
    %add3A_41 = arith.constant 48 : i32
    %add3A_42 = vector.broadcast %add3A_41 : i32 to vector<16xi32>
    %add3A_43 = arith.addi %add3A_42, %iota3A : vector<16xi32>
    %and3A_44 = arith.constant 7 : i32
    %and3A_45 = vector.broadcast %and3A_44 : i32 to vector<16xi32>
    %and3A_46 = arith.andi %add3A_43, %and3A_45 : vector<16xi32>
    %mul3A_47 = arith.constant 128 : i32
    %mul3A_48 = arith.muli %add3A, %mul3A_47 : i32
    %dma_start3A = arith.constant 0 : i32
    %dma_start3A_49 = tpu.memref_slice %arg4[%dma_start3A, %mul3A_48] : memref<200x4096xi32, #tpu.memory_space<hbm>> -> memref<1x128xi32, #tpu.memory_space<hbm>>
    %dma_start3A_50 = tpu.memref_squeeze %dma_start3A_49 : memref<1x128xi32, #tpu.memory_space<hbm>> -> memref<128xi32, #tpu.memory_space<hbm>>
    %dma_start3A_51 = tpu.memref_slice %arg4[%dma_start3A, %mul3A_48] : memref<200x4096xi32, #tpu.memory_space<hbm>> -> memref<1x128xi32, #tpu.memory_space<hbm>>
    %dma_start3A_52 = tpu.memref_squeeze %dma_start3A_51 : memref<1x128xi32, #tpu.memory_space<hbm>> -> memref<128xi32, #tpu.memory_space<hbm>>
    tpu.enqueue_dma source(%dma_start3A_52 : memref<128xi32, #tpu.memory_space<hbm>>) target(%arg6 : memref<128xi32, #tpu.memory_space<vmem>>) target_semaphore(%arg20 : memref<!tpu.dma_semaphore, #tpu.memory_space<semaphore_mem>>)
    %mul3A_53 = arith.constant 128 : i32
    %mul3A_54 = arith.muli %add3A, %mul3A_53 : i32
    %dma_start3A_55 = arith.constant 1 : i32
    %dma_start3A_56 = tpu.memref_slice %arg4[%dma_start3A_55, %mul3A_54] : memref<200x4096xi32, #tpu.memory_space<hbm>> -> memref<1x128xi32, #tpu.memory_space<hbm>>
    %dma_start3A_57 = tpu.memref_squeeze %dma_start3A_56 : memref<1x128xi32, #tpu.memory_space<hbm>> -> memref<128xi32, #tpu.memory_space<hbm>>
    %dma_start3A_58 = tpu.memref_slice %arg4[%dma_start3A_55, %mul3A_54] : memref<200x4096xi32, #tpu.memory_space<hbm>> -> memref<1x128xi32, #tpu.memory_space<hbm>>
    %dma_start3A_59 = tpu.memref_squeeze %dma_start3A_58 : memref<1x128xi32, #tpu.memory_space<hbm>> -> memref<128xi32, #tpu.memory_space<hbm>>
    tpu.enqueue_dma source(%dma_start3A_59 : memref<128xi32, #tpu.memory_space<hbm>>) target(%arg7 : memref<128xi32, #tpu.memory_space<vmem>>) target_semaphore(%arg21 : memref<!tpu.dma_semaphore, #tpu.memory_space<semaphore_mem>>)
    %mul3A_60 = arith.constant 128 : i32
    %mul3A_61 = arith.muli %add3A, %mul3A_60 : i32
    %dma_start3A_62 = arith.constant 2 : i32
    %dma_start3A_63 = tpu.memref_slice %arg4[%dma_start3A_62, %mul3A_61] : memref<200x4096xi32, #tpu.memory_space<hbm>> -> memref<1x128xi32, #tpu.memory_space<hbm>>
    %dma_start3A_64 = tpu.memref_squeeze %dma_start3A_63 : memref<1x128xi32, #tpu.memory_space<hbm>> -> memref<128xi32, #tpu.memory_space<hbm>>
    %dma_start3A_65 = tpu.memref_slice %arg4[%dma_start3A_62, %mul3A_61] : memref<200x4096xi32, #tpu.memory_space<hbm>> -> memref<1x128xi32, #tpu.memory_space<hbm>>
    %dma_start3A_66 = tpu.memref_squeeze %dma_start3A_65 : memref<1x128xi32, #tpu.memory_space<hbm>> -> memref<128xi32, #tpu.memory_space<hbm>>
    tpu.enqueue_dma source(%dma_start3A_66 : memref<128xi32, #tpu.memory_space<hbm>>) target(%arg8 : memref<128xi32, #tpu.memory_space<vmem>>) target_semaphore(%arg22 : memref<!tpu.dma_semaphore, #tpu.memory_space<semaphore_mem>>)
    %mul3A_67 = arith.constant 128 : i32
    %mul3A_68 = arith.muli %add3A, %mul3A_67 : i32
    %dma_start3A_69 = arith.constant 3 : i32
    %dma_start3A_70 = tpu.memref_slice %arg4[%dma_start3A_69, %mul3A_68] : memref<200x4096xi32, #tpu.memory_space<hbm>> -> memref<1x128xi32, #tpu.memory_space<hbm>>
    %dma_start3A_71 = tpu.memref_squeeze %dma_start3A_70 : memref<1x128xi32, #tpu.memory_space<hbm>> -> memref<128xi32, #tpu.memory_space<hbm>>
    %dma_start3A_72 = tpu.memref_slice %arg4[%dma_start3A_69, %mul3A_68] : memref<200x4096xi32, #tpu.memory_space<hbm>> -> memref<1x128xi32, #tpu.memory_space<hbm>>
    %dma_start3A_73 = tpu.memref_squeeze %dma_start3A_72 : memref<1x128xi32, #tpu.memory_space<hbm>> -> memref<128xi32, #tpu.memory_space<hbm>>
    tpu.enqueue_dma source(%dma_start3A_73 : memref<128xi32, #tpu.memory_space<hbm>>) target(%arg9 : memref<128xi32, #tpu.memory_space<vmem>>) target_semaphore(%arg23 : memref<!tpu.dma_semaphore, #tpu.memory_space<semaphore_mem>>)
    %mul3A_74 = arith.constant 128 : i32
    %mul3A_75 = arith.muli %add3A, %mul3A_74 : i32
    %dma_wait3A = arith.constant 0 : i32
    %dma_wait3A_76 = tpu.memref_slice %arg4[%dma_wait3A, %mul3A_75] : memref<200x4096xi32, #tpu.memory_space<hbm>> -> memref<1x128xi32, #tpu.memory_space<hbm>>
    %dma_wait3A_77 = tpu.memref_squeeze %dma_wait3A_76 : memref<1x128xi32, #tpu.memory_space<hbm>> -> memref<128xi32, #tpu.memory_space<hbm>>
    %dma_wait3A_78 = tpu.memref_slice %arg4[%dma_wait3A, %mul3A_75] : memref<200x4096xi32, #tpu.memory_space<hbm>> -> memref<1x128xi32, #tpu.memory_space<hbm>>
    %dma_wait3A_79 = tpu.memref_squeeze %dma_wait3A_78 : memref<1x128xi32, #tpu.memory_space<hbm>> -> memref<128xi32, #tpu.memory_space<hbm>>
    tpu.wait_dma2 semaphore(%arg20 : memref<!tpu.dma_semaphore, #tpu.memory_space<semaphore_mem>>) src(%dma_wait3A_79 : memref<128xi32, #tpu.memory_space<hbm>>) dst(%arg6 : memref<128xi32, #tpu.memory_space<vmem>>)
    %dma_start3A_80 = arith.constant 0 : i32
    %dma_start3A_81 = arith.constant 0 : i32
    %dma_start3A_82 = tpu.memref_slice %arg2[%dma_start3A_80, %dma_start3A_81] : memref<1000000x32xf32, #tpu.memory_space<hbm>> -> memref<1000000x32xf32, #tpu.memory_space<hbm>>
    tpu.enqueue_indirect_dma source(%dma_start3A_82 : memref<1000000x32xf32, #tpu.memory_space<hbm>>) target(%arg10 : memref<128x32xf32, #tpu.memory_space<vmem>>) offsets(%arg6 : memref<128xi32, #tpu.memory_space<vmem>>) semaphore(%arg24 : memref<!tpu.dma_semaphore, #tpu.memory_space<semaphore_mem>>)
    %dma_start3A_83 = arith.constant 0 : i32
    %dma_start3A_84 = arith.constant 0 : i32
    %dma_start3A_85 = tpu.memref_slice %arg3[%dma_start3A_83, %dma_start3A_84] : memref<1000000x32xf32, #tpu.memory_space<hbm>> -> memref<1000000x32xf32, #tpu.memory_space<hbm>>
    tpu.enqueue_indirect_dma source(%dma_start3A_85 : memref<1000000x32xf32, #tpu.memory_space<hbm>>) target(%arg14 : memref<128x32xf32, #tpu.memory_space<vmem>>) offsets(%arg6 : memref<128xi32, #tpu.memory_space<vmem>>) semaphore(%arg24 : memref<!tpu.dma_semaphore, #tpu.memory_space<semaphore_mem>>)
    %mul3A_86 = arith.constant 128 : i32
    %mul3A_87 = arith.muli %add3A, %mul3A_86 : i32
    %dma_wait3A_88 = arith.constant 1 : i32
    %dma_wait3A_89 = tpu.memref_slice %arg4[%dma_wait3A_88, %mul3A_87] : memref<200x4096xi32, #tpu.memory_space<hbm>> -> memref<1x128xi32, #tpu.memory_space<hbm>>
    %dma_wait3A_90 = tpu.memref_squeeze %dma_wait3A_89 : memref<1x128xi32, #tpu.memory_space<hbm>> -> memref<128xi32, #tpu.memory_space<hbm>>
    %dma_wait3A_91 = tpu.memref_slice %arg4[%dma_wait3A_88, %mul3A_87] : memref<200x4096xi32, #tpu.memory_space<hbm>> -> memref<1x128xi32, #tpu.memory_space<hbm>>
    %dma_wait3A_92 = tpu.memref_squeeze %dma_wait3A_91 : memref<1x128xi32, #tpu.memory_space<hbm>> -> memref<128xi32, #tpu.memory_space<hbm>>
    tpu.wait_dma2 semaphore(%arg21 : memref<!tpu.dma_semaphore, #tpu.memory_space<semaphore_mem>>) src(%dma_wait3A_92 : memref<128xi32, #tpu.memory_space<hbm>>) dst(%arg7 : memref<128xi32, #tpu.memory_space<vmem>>)
    %dma_start3A_93 = arith.constant 0 : i32
    %dma_start3A_94 = arith.constant 0 : i32
    %dma_start3A_95 = tpu.memref_slice %arg2[%dma_start3A_93, %dma_start3A_94] : memref<1000000x32xf32, #tpu.memory_space<hbm>> -> memref<1000000x32xf32, #tpu.memory_space<hbm>>
    tpu.enqueue_indirect_dma source(%dma_start3A_95 : memref<1000000x32xf32, #tpu.memory_space<hbm>>) target(%arg11 : memref<128x32xf32, #tpu.memory_space<vmem>>) offsets(%arg7 : memref<128xi32, #tpu.memory_space<vmem>>) semaphore(%arg25 : memref<!tpu.dma_semaphore, #tpu.memory_space<semaphore_mem>>)
    %dma_start3A_96 = arith.constant 0 : i32
    %dma_start3A_97 = arith.constant 0 : i32
    %dma_start3A_98 = tpu.memref_slice %arg3[%dma_start3A_96, %dma_start3A_97] : memref<1000000x32xf32, #tpu.memory_space<hbm>> -> memref<1000000x32xf32, #tpu.memory_space<hbm>>
    tpu.enqueue_indirect_dma source(%dma_start3A_98 : memref<1000000x32xf32, #tpu.memory_space<hbm>>) target(%arg15 : memref<128x32xf32, #tpu.memory_space<vmem>>) offsets(%arg7 : memref<128xi32, #tpu.memory_space<vmem>>) semaphore(%arg25 : memref<!tpu.dma_semaphore, #tpu.memory_space<semaphore_mem>>)
    %mul3A_99 = arith.constant 128 : i32
    %mul3A_100 = arith.muli %add3A, %mul3A_99 : i32
    %dma_wait3A_101 = arith.constant 2 : i32
    %dma_wait3A_102 = tpu.memref_slice %arg4[%dma_wait3A_101, %mul3A_100] : memref<200x4096xi32, #tpu.memory_space<hbm>> -> memref<1x128xi32, #tpu.memory_space<hbm>>
    %dma_wait3A_103 = tpu.memref_squeeze %dma_wait3A_102 : memref<1x128xi32, #tpu.memory_space<hbm>> -> memref<128xi32, #tpu.memory_space<hbm>>
    %dma_wait3A_104 = tpu.memref_slice %arg4[%dma_wait3A_101, %mul3A_100] : memref<200x4096xi32, #tpu.memory_space<hbm>> -> memref<1x128xi32, #tpu.memory_space<hbm>>
    %dma_wait3A_105 = tpu.memref_squeeze %dma_wait3A_104 : memref<1x128xi32, #tpu.memory_space<hbm>> -> memref<128xi32, #tpu.memory_space<hbm>>
    tpu.wait_dma2 semaphore(%arg22 : memref<!tpu.dma_semaphore, #tpu.memory_space<semaphore_mem>>) src(%dma_wait3A_105 : memref<128xi32, #tpu.memory_space<hbm>>) dst(%arg8 : memref<128xi32, #tpu.memory_space<vmem>>)
    %dma_start3A_106 = arith.constant 0 : i32
    %dma_start3A_107 = arith.constant 0 : i32
    %dma_start3A_108 = tpu.memref_slice %arg2[%dma_start3A_106, %dma_start3A_107] : memref<1000000x32xf32, #tpu.memory_space<hbm>> -> memref<1000000x32xf32, #tpu.memory_space<hbm>>
    tpu.enqueue_indirect_dma source(%dma_start3A_108 : memref<1000000x32xf32, #tpu.memory_space<hbm>>) target(%arg12 : memref<128x32xf32, #tpu.memory_space<vmem>>) offsets(%arg8 : memref<128xi32, #tpu.memory_space<vmem>>) semaphore(%arg26 : memref<!tpu.dma_semaphore, #tpu.memory_space<semaphore_mem>>)
    %dma_start3A_109 = arith.constant 0 : i32
    %dma_start3A_110 = arith.constant 0 : i32
    %dma_start3A_111 = tpu.memref_slice %arg3[%dma_start3A_109, %dma_start3A_110] : memref<1000000x32xf32, #tpu.memory_space<hbm>> -> memref<1000000x32xf32, #tpu.memory_space<hbm>>
    tpu.enqueue_indirect_dma source(%dma_start3A_111 : memref<1000000x32xf32, #tpu.memory_space<hbm>>) target(%arg16 : memref<128x32xf32, #tpu.memory_space<vmem>>) offsets(%arg8 : memref<128xi32, #tpu.memory_space<vmem>>) semaphore(%arg26 : memref<!tpu.dma_semaphore, #tpu.memory_space<semaphore_mem>>)
    %mul3A_112 = arith.constant 128 : i32
    %mul3A_113 = arith.muli %add3A, %mul3A_112 : i32
    %dma_wait3A_114 = arith.constant 3 : i32
    %dma_wait3A_115 = tpu.memref_slice %arg4[%dma_wait3A_114, %mul3A_113] : memref<200x4096xi32, #tpu.memory_space<hbm>> -> memref<1x128xi32, #tpu.memory_space<hbm>>
    %dma_wait3A_116 = tpu.memref_squeeze %dma_wait3A_115 : memref<1x128xi32, #tpu.memory_space<hbm>> -> memref<128xi32, #tpu.memory_space<hbm>>
    %dma_wait3A_117 = tpu.memref_slice %arg4[%dma_wait3A_114, %mul3A_113] : memref<200x4096xi32, #tpu.memory_space<hbm>> -> memref<1x128xi32, #tpu.memory_space<hbm>>
    %dma_wait3A_118 = tpu.memref_squeeze %dma_wait3A_117 : memref<1x128xi32, #tpu.memory_space<hbm>> -> memref<128xi32, #tpu.memory_space<hbm>>
    tpu.wait_dma2 semaphore(%arg23 : memref<!tpu.dma_semaphore, #tpu.memory_space<semaphore_mem>>) src(%dma_wait3A_118 : memref<128xi32, #tpu.memory_space<hbm>>) dst(%arg9 : memref<128xi32, #tpu.memory_space<vmem>>)
    %dma_start3A_119 = arith.constant 0 : i32
    %dma_start3A_120 = arith.constant 0 : i32
    %dma_start3A_121 = tpu.memref_slice %arg2[%dma_start3A_119, %dma_start3A_120] : memref<1000000x32xf32, #tpu.memory_space<hbm>> -> memref<1000000x32xf32, #tpu.memory_space<hbm>>
    tpu.enqueue_indirect_dma source(%dma_start3A_121 : memref<1000000x32xf32, #tpu.memory_space<hbm>>) target(%arg13 : memref<128x32xf32, #tpu.memory_space<vmem>>) offsets(%arg9 : memref<128xi32, #tpu.memory_space<vmem>>) semaphore(%arg27 : memref<!tpu.dma_semaphore, #tpu.memory_space<semaphore_mem>>)
    %dma_start3A_122 = arith.constant 0 : i32
    %dma_start3A_123 = arith.constant 0 : i32
    %dma_start3A_124 = tpu.memref_slice %arg3[%dma_start3A_122, %dma_start3A_123] : memref<1000000x32xf32, #tpu.memory_space<hbm>> -> memref<1000000x32xf32, #tpu.memory_space<hbm>>
    tpu.enqueue_indirect_dma source(%dma_start3A_124 : memref<1000000x32xf32, #tpu.memory_space<hbm>>) target(%arg17 : memref<128x32xf32, #tpu.memory_space<vmem>>) offsets(%arg9 : memref<128xi32, #tpu.memory_space<vmem>>) semaphore(%arg27 : memref<!tpu.dma_semaphore, #tpu.memory_space<semaphore_mem>>)
    %scan3A = arith.constant 0 : i32
    %scan3A_125 = arith.constant 0 : i32
    %scan3A_126 = arith.constant 50 : i32
    %scan3A_127 = arith.addi %scan3A_125, %scan3A_126 : i32
    %scan3A_128 = arith.constant 1 : i32
    scf.for %scan3A_168 = %scan3A_125 to %scan3A_127 step %scan3A_128  : i32 {
      %mul3A_169 = arith.constant 4 : i32
      %mul3A_170 = arith.muli %scan3A_168, %mul3A_169 : i32
      %dma_wait3A_171 = arith.constant 0 : i32
      %dma_wait3A_172 = arith.constant 0 : i32
      %dma_wait3A_173 = tpu.memref_slice %arg2[%dma_wait3A_171, %dma_wait3A_172] : memref<1000000x32xf32, #tpu.memory_space<hbm>> -> memref<1000000x32xf32, #tpu.memory_space<hbm>>
      tpu.wait_indirect_dma semaphore(%arg24 : memref<!tpu.dma_semaphore, #tpu.memory_space<semaphore_mem>>) src(%dma_wait3A_173 : memref<1000000x32xf32, #tpu.memory_space<hbm>>) dst(%arg10 : memref<128x32xf32, #tpu.memory_space<vmem>>)
      %dma_wait3A_174 = arith.constant 0 : i32
      %dma_wait3A_175 = arith.constant 0 : i32
      %dma_wait3A_176 = tpu.memref_slice %arg3[%dma_wait3A_174, %dma_wait3A_175] : memref<1000000x32xf32, #tpu.memory_space<hbm>> -> memref<1000000x32xf32, #tpu.memory_space<hbm>>
      tpu.wait_indirect_dma semaphore(%arg24 : memref<!tpu.dma_semaphore, #tpu.memory_space<semaphore_mem>>) src(%dma_wait3A_176 : memref<1000000x32xf32, #tpu.memory_space<hbm>>) dst(%arg14 : memref<128x32xf32, #tpu.memory_space<vmem>>)
      %add3A_177 = arith.constant 0 : i32
      %add3A_178 = arith.addi %mul3A_170, %add3A_177 : i32
      %sub3A = arith.constant 2 : i32
      %sub3A_179 = arith.subi %add3A_178, %sub3A : i32
      %ge3A = arith.constant 0 : i32
      %ge3A_180 = arith.cmpi sge, %sub3A_179, %ge3A : i32
      %convert_element_type3A = arith.extui %ge3A_180 : i1 to i32
      %cond3A = arith.constant 0 : i32
      %cond3A_181 = arith.cmpi ne, %convert_element_type3A, %cond3A : i32
      scf.if %cond3A_181 {
        %dma_wait3A_402 = arith.constant 0 : i32
        %dma_wait3A_403 = arith.constant 0 : i32
        %dma_wait3A_404 = arith.constant 0 : i32
        %dma_wait3A_405 = tpu.memref_slice %arg18[%dma_wait3A_402, %dma_wait3A_403, %dma_wait3A_404] : memref<8x8x129xf32, #tpu.memory_space<vmem>> -> memref<8x8x128xf32, #tpu.memory_space<vmem>>
        %dma_wait3A_406 = arith.constant 0 : i32
        %dma_wait3A_407 = arith.constant 0 : i32
        %dma_wait3A_408 = arith.constant 0 : i32
        %dma_wait3A_409 = tpu.memref_slice %arg5[%sub3A_179, %dma_wait3A_406, %add3A, %dma_wait3A_407, %dma_wait3A_408] : memref<200x8x32x8x128xf32, #tpu.memory_space<hbm>> -> memref<1x8x1x8x128xf32, #tpu.memory_space<hbm>>
        %dma_wait3A_410 = tpu.memref_squeeze %dma_wait3A_409 : memref<1x8x1x8x128xf32, #tpu.memory_space<hbm>> -> memref<8x8x128xf32, #tpu.memory_space<hbm>>
        %dma_wait3A_411 = arith.constant 0 : i32
        %dma_wait3A_412 = arith.constant 0 : i32
        %dma_wait3A_413 = arith.constant 0 : i32
        %dma_wait3A_414 = tpu.memref_slice %arg5[%sub3A_179, %dma_wait3A_411, %add3A, %dma_wait3A_412, %dma_wait3A_413] : memref<200x8x32x8x128xf32, #tpu.memory_space<hbm>> -> memref<1x8x1x8x128xf32, #tpu.memory_space<hbm>>
        %dma_wait3A_415 = tpu.memref_squeeze %dma_wait3A_414 : memref<1x8x1x8x128xf32, #tpu.memory_space<hbm>> -> memref<8x8x128xf32, #tpu.memory_space<hbm>>
        %dma_wait3A_416 = arith.constant 0 : i32
        %dma_wait3A_417 = arith.constant 0 : i32
        %dma_wait3A_418 = arith.constant 0 : i32
        %dma_wait3A_419 = tpu.memref_slice %arg18[%dma_wait3A_416, %dma_wait3A_417, %dma_wait3A_418] : memref<8x8x129xf32, #tpu.memory_space<vmem>> -> memref<8x8x128xf32, #tpu.memory_space<vmem>>
        tpu.wait_dma2 semaphore(%arg28 : memref<!tpu.dma_semaphore, #tpu.memory_space<semaphore_mem>>) src(%dma_wait3A_419 : memref<8x8x128xf32, #tpu.memory_space<vmem>>) dst(%dma_wait3A_415 : memref<8x8x128xf32, #tpu.memory_space<hbm>>)
      } else {
      }
      %scan3A_182 = arith.constant 0 : i32
      %scan3A_183 = arith.constant 0 : i32
      %scan3A_184 = arith.constant 32 : i32
      %scan3A_185 = arith.addi %scan3A_183, %scan3A_184 : i32
      %scan3A_186 = arith.constant 1 : i32
      scf.for %scan3A_402 = %scan3A_183 to %scan3A_185 step %scan3A_186  : i32 {
        %mul3A_403 = arith.constant 4 : i32
        %mul3A_404 = arith.muli %scan3A_402, %mul3A_403 : i32
        %add3A_405 = arith.constant 0 : i32
        %add3A_406 = arith.addi %mul3A_404, %add3A_405 : i32
        %broadcast_in_dim3A = vector.broadcast %add3A_406 : i32 to vector<16xi32>
        %add3A_407 = arith.constant 0 : i32
        %add3A_408 = arith.addi %mul3A_404, %add3A_407 : i32
        %get3A = arith.index_cast %add3A_408 : i32 to index
        %get3A_409 = arith.constant 0 : index
        %get3A_410 = tpu.vector_load %arg10[%get3A, %get3A_409] {strides = array<i32>} : memref<128x32xf32, #tpu.memory_space<vmem>>, vector<16xf32>,
        %add3A_411 = arith.constant 0 : i32
        %add3A_412 = arith.addi %mul3A_404, %add3A_411 : i32
        %get3A_413 = arith.index_cast %add3A_412 : i32 to index
        %get3A_414 = arith.constant 16 : index
        %get3A_415 = tpu.vector_load %arg10[%get3A_413, %get3A_414] {strides = array<i32>} : memref<128x32xf32, #tpu.memory_space<vmem>>, vector<16xf32>,
        %add3A_416 = arith.constant 0 : i32
        %add3A_417 = arith.addi %mul3A_404, %add3A_416 : i32
        %get3A_418 = arith.index_cast %add3A_417 : i32 to index
        %get3A_419 = arith.constant 0 : index
        %get3A_420 = tpu.vector_load %arg14[%get3A_418, %get3A_419] {strides = array<i32>} : memref<128x32xf32, #tpu.memory_space<vmem>>, vector<16xf32>,
        %add3A_421 = arith.constant 0 : i32
        %add3A_422 = arith.addi %mul3A_404, %add3A_421 : i32
        %get3A_423 = arith.index_cast %add3A_422 : i32 to index
        %get3A_424 = arith.constant 16 : index
        %get3A_425 = tpu.vector_load %arg14[%get3A_423, %get3A_424] {strides = array<i32>} : memref<128x32xf32, #tpu.memory_space<vmem>>, vector<16xf32>,
        tpu.vector_store_idx %arg18[%shift_right_arithmetic3A_5, %and3A_28, %broadcast_in_dim3A], %get3A_410 : memref<8x8x129xf32, #tpu.memory_space<vmem>>[vector<16xi32>, vector<16xi32>, vector<16xi32>], vector<16xf32>,
        tpu.vector_store_idx %arg18[%shift_right_arithmetic3A_11, %and3A_34, %broadcast_in_dim3A], %get3A_415 : memref<8x8x129xf32, #tpu.memory_space<vmem>>[vector<16xi32>, vector<16xi32>, vector<16xi32>], vector<16xf32>,
        tpu.vector_store_idx %arg18[%shift_right_arithmetic3A_17, %and3A_40, %broadcast_in_dim3A], %get3A_420 : memref<8x8x129xf32, #tpu.memory_space<vmem>>[vector<16xi32>, vector<16xi32>, vector<16xi32>], vector<16xf32>,
        tpu.vector_store_idx %arg18[%shift_right_arithmetic3A_23, %and3A_46, %broadcast_in_dim3A], %get3A_425 : memref<8x8x129xf32, #tpu.memory_space<vmem>>[vector<16xi32>, vector<16xi32>, vector<16xi32>], vector<16xf32>,
        %add3A_426 = arith.constant 1 : i32
        %add3A_427 = arith.addi %mul3A_404, %add3A_426 : i32
        %broadcast_in_dim3A_428 = vector.broadcast %add3A_427 : i32 to vector<16xi32>
        %add3A_429 = arith.constant 1 : i32
        %add3A_430 = arith.addi %mul3A_404, %add3A_429 : i32
        %get3A_431 = arith.index_cast %add3A_430 : i32 to index
        %get3A_432 = arith.constant 0 : index
        %get3A_433 = tpu.vector_load %arg10[%get3A_431, %get3A_432] {strides = array<i32>} : memref<128x32xf32, #tpu.memory_space<vmem>>, vector<16xf32>,
        %add3A_434 = arith.constant 1 : i32
        %add3A_435 = arith.addi %mul3A_404, %add3A_434 : i32
        %get3A_436 = arith.index_cast %add3A_435 : i32 to index
        %get3A_437 = arith.constant 16 : index
        %get3A_438 = tpu.vector_load %arg10[%get3A_436, %get3A_437] {strides = array<i32>} : memref<128x32xf32, #tpu.memory_space<vmem>>, vector<16xf32>,
        %add3A_439 = arith.constant 1 : i32
        %add3A_440 = arith.addi %mul3A_404, %add3A_439 : i32
        %get3A_441 = arith.index_cast %add3A_440 : i32 to index
        %get3A_442 = arith.constant 0 : index
        %get3A_443 = tpu.vector_load %arg14[%get3A_441, %get3A_442] {strides = array<i32>} : memref<128x32xf32, #tpu.memory_space<vmem>>, vector<16xf32>,
        %add3A_444 = arith.constant 1 : i32
        %add3A_445 = arith.addi %mul3A_404, %add3A_444 : i32
        %get3A_446 = arith.index_cast %add3A_445 : i32 to index
        %get3A_447 = arith.constant 16 : index
        %get3A_448 = tpu.vector_load %arg14[%get3A_446, %get3A_447] {strides = array<i32>} : memref<128x32xf32, #tpu.memory_space<vmem>>, vector<16xf32>,
        tpu.vector_store_idx %arg18[%shift_right_arithmetic3A_5, %and3A_28, %broadcast_in_dim3A_428], %get3A_433 : memref<8x8x129xf32, #tpu.memory_space<vmem>>[vector<16xi32>, vector<16xi32>, vector<16xi32>], vector<16xf32>,
        tpu.vector_store_idx %arg18[%shift_right_arithmetic3A_11, %and3A_34, %broadcast_in_dim3A_428], %get3A_438 : memref<8x8x129xf32, #tpu.memory_space<vmem>>[vector<16xi32>, vector<16xi32>, vector<16xi32>], vector<16xf32>,
        tpu.vector_store_idx %arg18[%shift_right_arithmetic3A_17, %and3A_40, %broadcast_in_dim3A_428], %get3A_443 : memref<8x8x129xf32, #tpu.memory_space<vmem>>[vector<16xi32>, vector<16xi32>, vector<16xi32>], vector<16xf32>,
        tpu.vector_store_idx %arg18[%shift_right_arithmetic3A_23, %and3A_46, %broadcast_in_dim3A_428], %get3A_448 : memref<8x8x129xf32, #tpu.memory_space<vmem>>[vector<16xi32>, vector<16xi32>, vector<16xi32>], vector<16xf32>,
        %add3A_449 = arith.constant 2 : i32
        %add3A_450 = arith.addi %mul3A_404, %add3A_449 : i32
        %broadcast_in_dim3A_451 = vector.broadcast %add3A_450 : i32 to vector<16xi32>
        %add3A_452 = arith.constant 2 : i32
        %add3A_453 = arith.addi %mul3A_404, %add3A_452 : i32
        %get3A_454 = arith.index_cast %add3A_453 : i32 to index
        %get3A_455 = arith.constant 0 : index
        %get3A_456 = tpu.vector_load %arg10[%get3A_454, %get3A_455] {strides = array<i32>} : memref<128x32xf32, #tpu.memory_space<vmem>>, vector<16xf32>,
        %add3A_457 = arith.constant 2 : i32
        %add3A_458 = arith.addi %mul3A_404, %add3A_457 : i32
        %get3A_459 = arith.index_cast %add3A_458 : i32 to index
        %get3A_460 = arith.constant 16 : index
        %get3A_461 = tpu.vector_load %arg10[%get3A_459, %get3A_460] {strides = array<i32>} : memref<128x32xf32, #tpu.memory_space<vmem>>, vector<16xf32>,
        %add3A_462 = arith.constant 2 : i32
        %add3A_463 = arith.addi %mul3A_404, %add3A_462 : i32
        %get3A_464 = arith.index_cast %add3A_463 : i32 to index
        %get3A_465 = arith.constant 0 : index
        %get3A_466 = tpu.vector_load %arg14[%get3A_464, %get3A_465] {strides = array<i32>} : memref<128x32xf32, #tpu.memory_space<vmem>>, vector<16xf32>,
        %add3A_467 = arith.constant 2 : i32
        %add3A_468 = arith.addi %mul3A_404, %add3A_467 : i32
        %get3A_469 = arith.index_cast %add3A_468 : i32 to index
        %get3A_470 = arith.constant 16 : index
        %get3A_471 = tpu.vector_load %arg14[%get3A_469, %get3A_470] {strides = array<i32>} : memref<128x32xf32, #tpu.memory_space<vmem>>, vector<16xf32>,
        tpu.vector_store_idx %arg18[%shift_right_arithmetic3A_5, %and3A_28, %broadcast_in_dim3A_451], %get3A_456 : memref<8x8x129xf32, #tpu.memory_space<vmem>>[vector<16xi32>, vector<16xi32>, vector<16xi32>], vector<16xf32>,
        tpu.vector_store_idx %arg18[%shift_right_arithmetic3A_11, %and3A_34, %broadcast_in_dim3A_451], %get3A_461 : memref<8x8x129xf32, #tpu.memory_space<vmem>>[vector<16xi32>, vector<16xi32>, vector<16xi32>], vector<16xf32>,
        tpu.vector_store_idx %arg18[%shift_right_arithmetic3A_17, %and3A_40, %broadcast_in_dim3A_451], %get3A_466 : memref<8x8x129xf32, #tpu.memory_space<vmem>>[vector<16xi32>, vector<16xi32>, vector<16xi32>], vector<16xf32>,
        tpu.vector_store_idx %arg18[%shift_right_arithmetic3A_23, %and3A_46, %broadcast_in_dim3A_451], %get3A_471 : memref<8x8x129xf32, #tpu.memory_space<vmem>>[vector<16xi32>, vector<16xi32>, vector<16xi32>], vector<16xf32>,
        %add3A_472 = arith.constant 3 : i32
        %add3A_473 = arith.addi %mul3A_404, %add3A_472 : i32
        %broadcast_in_dim3A_474 = vector.broadcast %add3A_473 : i32 to vector<16xi32>
        %add3A_475 = arith.constant 3 : i32
        %add3A_476 = arith.addi %mul3A_404, %add3A_475 : i32
        %get3A_477 = arith.index_cast %add3A_476 : i32 to index
        %get3A_478 = arith.constant 0 : index
        %get3A_479 = tpu.vector_load %arg10[%get3A_477, %get3A_478] {strides = array<i32>} : memref<128x32xf32, #tpu.memory_space<vmem>>, vector<16xf32>,
        %add3A_480 = arith.constant 3 : i32
        %add3A_481 = arith.addi %mul3A_404, %add3A_480 : i32
        %get3A_482 = arith.index_cast %add3A_481 : i32 to index
        %get3A_483 = arith.constant 16 : index
        %get3A_484 = tpu.vector_load %arg10[%get3A_482, %get3A_483] {strides = array<i32>} : memref<128x32xf32, #tpu.memory_space<vmem>>, vector<16xf32>,
        %add3A_485 = arith.constant 3 : i32
        %add3A_486 = arith.addi %mul3A_404, %add3A_485 : i32
        %get3A_487 = arith.index_cast %add3A_486 : i32 to index
        %get3A_488 = arith.constant 0 : index
        %get3A_489 = tpu.vector_load %arg14[%get3A_487, %get3A_488] {strides = array<i32>} : memref<128x32xf32, #tpu.memory_space<vmem>>, vector<16xf32>,
        %add3A_490 = arith.constant 3 : i32
        %add3A_491 = arith.addi %mul3A_404, %add3A_490 : i32
        %get3A_492 = arith.index_cast %add3A_491 : i32 to index
        %get3A_493 = arith.constant 16 : index
        %get3A_494 = tpu.vector_load %arg14[%get3A_492, %get3A_493] {strides = array<i32>} : memref<128x32xf32, #tpu.memory_space<vmem>>, vector<16xf32>,
        tpu.vector_store_idx %arg18[%shift_right_arithmetic3A_5, %and3A_28, %broadcast_in_dim3A_474], %get3A_479 : memref<8x8x129xf32, #tpu.memory_space<vmem>>[vector<16xi32>, vector<16xi32>, vector<16xi32>], vector<16xf32>,
        tpu.vector_store_idx %arg18[%shift_right_arithmetic3A_11, %and3A_34, %broadcast_in_dim3A_474], %get3A_484 : memref<8x8x129xf32, #tpu.memory_space<vmem>>[vector<16xi32>, vector<16xi32>, vector<16xi32>], vector<16xf32>,
        tpu.vector_store_idx %arg18[%shift_right_arithmetic3A_17, %and3A_40, %broadcast_in_dim3A_474], %get3A_489 : memref<8x8x129xf32, #tpu.memory_space<vmem>>[vector<16xi32>, vector<16xi32>, vector<16xi32>], vector<16xf32>,
        tpu.vector_store_idx %arg18[%shift_right_arithmetic3A_23, %and3A_46, %broadcast_in_dim3A_474], %get3A_494 : memref<8x8x129xf32, #tpu.memory_space<vmem>>[vector<16xi32>, vector<16xi32>, vector<16xi32>], vector<16xf32>,
      }
      %scan3A_187 = arith.constant 32 : i32
      %add3A_188 = arith.constant 0 : i32
      %add3A_189 = arith.addi %mul3A_170, %add3A_188 : i32
      %dma_start3A_190 = arith.constant 0 : i32
      %dma_start3A_191 = arith.constant 0 : i32
      %dma_start3A_192 = arith.constant 0 : i32
      %dma_start3A_193 = tpu.memref_slice %arg18[%dma_start3A_190, %dma_start3A_191, %dma_start3A_192] : memref<8x8x129xf32, #tpu.memory_space<vmem>> -> memref<8x8x128xf32, #tpu.memory_space<vmem>>
      %dma_start3A_194 = arith.constant 0 : i32
      %dma_start3A_195 = arith.constant 0 : i32
      %dma_start3A_196 = arith.constant 0 : i32
      %dma_start3A_197 = tpu.memref_slice %arg5[%add3A_189, %dma_start3A_194, %add3A, %dma_start3A_195, %dma_start3A_196] : memref<200x8x32x8x128xf32, #tpu.memory_space<hbm>> -> memref<1x8x1x8x128xf32, #tpu.memory_space<hbm>>
      %dma_start3A_198 = tpu.memref_squeeze %dma_start3A_197 : memref<1x8x1x8x128xf32, #tpu.memory_space<hbm>> -> memref<8x8x128xf32, #tpu.memory_space<hbm>>
      %dma_start3A_199 = arith.constant 0 : i32
      %dma_start3A_200 = arith.constant 0 : i32
      %dma_start3A_201 = arith.constant 0 : i32
      %dma_start3A_202 = tpu.memref_slice %arg5[%add3A_189, %dma_start3A_199, %add3A, %dma_start3A_200, %dma_start3A_201] : memref<200x8x32x8x128xf32, #tpu.memory_space<hbm>> -> memref<1x8x1x8x128xf32, #tpu.memory_space<hbm>>
      %dma_start3A_203 = tpu.memref_squeeze %dma_start3A_202 : memref<1x8x1x8x128xf32, #tpu.memory_space<hbm>> -> memref<8x8x128xf32, #tpu.memory_space<hbm>>
      %dma_start3A_204 = arith.constant 0 : i32
      %dma_start3A_205 = arith.constant 0 : i32
      %dma_start3A_206 = arith.constant 0 : i32
      %dma_start3A_207 = tpu.memref_slice %arg18[%dma_start3A_204, %dma_start3A_205, %dma_start3A_206] : memref<8x8x129xf32, #tpu.memory_space<vmem>> -> memref<8x8x128xf32, #tpu.memory_space<vmem>>
      tpu.enqueue_dma source(%dma_start3A_207 : memref<8x8x128xf32, #tpu.memory_space<vmem>>) target(%dma_start3A_203 : memref<8x8x128xf32, #tpu.memory_space<hbm>>) target_semaphore(%arg28 : memref<!tpu.dma_semaphore, #tpu.memory_space<semaphore_mem>>)
      %add3A_208 = arith.constant 4 : i32
      %add3A_209 = arith.addi %mul3A_170, %add3A_208 : i32
      %add3A_210 = arith.constant 0 : i32
      %add3A_211 = arith.addi %add3A_209, %add3A_210 : i32
      %lt3A = arith.constant 200 : i32
      %lt3A_212 = arith.cmpi slt, %add3A_211, %lt3A : i32
      %convert_element_type3A_213 = arith.extui %lt3A_212 : i1 to i32
      %cond3A_214 = arith.constant 0 : i32
      %cond3A_215 = arith.cmpi ne, %convert_element_type3A_213, %cond3A_214 : i32
      scf.if %cond3A_215 {
        %mul3A_402 = arith.constant 128 : i32
        %mul3A_403 = arith.muli %add3A, %mul3A_402 : i32
        %dma_start3A_404 = tpu.memref_slice %arg4[%add3A_211, %mul3A_403] : memref<200x4096xi32, #tpu.memory_space<hbm>> -> memref<1x128xi32, #tpu.memory_space<hbm>>
        %dma_start3A_405 = tpu.memref_squeeze %dma_start3A_404 : memref<1x128xi32, #tpu.memory_space<hbm>> -> memref<128xi32, #tpu.memory_space<hbm>>
        %dma_start3A_406 = tpu.memref_slice %arg4[%add3A_211, %mul3A_403] : memref<200x4096xi32, #tpu.memory_space<hbm>> -> memref<1x128xi32, #tpu.memory_space<hbm>>
        %dma_start3A_407 = tpu.memref_squeeze %dma_start3A_406 : memref<1x128xi32, #tpu.memory_space<hbm>> -> memref<128xi32, #tpu.memory_space<hbm>>
        tpu.enqueue_dma source(%dma_start3A_407 : memref<128xi32, #tpu.memory_space<hbm>>) target(%arg6 : memref<128xi32, #tpu.memory_space<vmem>>) target_semaphore(%arg20 : memref<!tpu.dma_semaphore, #tpu.memory_space<semaphore_mem>>)
      } else {
      }
      %dma_wait3A_216 = arith.constant 0 : i32
      %dma_wait3A_217 = arith.constant 0 : i32
      %dma_wait3A_218 = tpu.memref_slice %arg2[%dma_wait3A_216, %dma_wait3A_217] : memref<1000000x32xf32, #tpu.memory_space<hbm>> -> memref<1000000x32xf32, #tpu.memory_space<hbm>>
      tpu.wait_indirect_dma semaphore(%arg25 : memref<!tpu.dma_semaphore, #tpu.memory_space<semaphore_mem>>) src(%dma_wait3A_218 : memref<1000000x32xf32, #tpu.memory_space<hbm>>) dst(%arg11 : memref<128x32xf32, #tpu.memory_space<vmem>>)
      %dma_wait3A_219 = arith.constant 0 : i32
      %dma_wait3A_220 = arith.constant 0 : i32
      %dma_wait3A_221 = tpu.memref_slice %arg3[%dma_wait3A_219, %dma_wait3A_220] : memref<1000000x32xf32, #tpu.memory_space<hbm>> -> memref<1000000x32xf32, #tpu.memory_space<hbm>>
      tpu.wait_indirect_dma semaphore(%arg25 : memref<!tpu.dma_semaphore, #tpu.memory_space<semaphore_mem>>) src(%dma_wait3A_221 : memref<1000000x32xf32, #tpu.memory_space<hbm>>) dst(%arg15 : memref<128x32xf32, #tpu.memory_space<vmem>>)
      %add3A_222 = arith.constant 1 : i32
      %add3A_223 = arith.addi %mul3A_170, %add3A_222 : i32
      %sub3A_224 = arith.constant 2 : i32
      %sub3A_225 = arith.subi %add3A_223, %sub3A_224 : i32
      %ge3A_226 = arith.constant 0 : i32
      %ge3A_227 = arith.cmpi sge, %sub3A_225, %ge3A_226 : i32
      %convert_element_type3A_228 = arith.extui %ge3A_227 : i1 to i32
      %cond3A_229 = arith.constant 0 : i32
      %cond3A_230 = arith.cmpi ne, %convert_element_type3A_228, %cond3A_229 : i32
      scf.if %cond3A_230 {
        %dma_wait3A_402 = arith.constant 0 : i32
        %dma_wait3A_403 = arith.constant 0 : i32
        %dma_wait3A_404 = arith.constant 0 : i32
        %dma_wait3A_405 = tpu.memref_slice %arg19[%dma_wait3A_402, %dma_wait3A_403, %dma_wait3A_404] : memref<8x8x129xf32, #tpu.memory_space<vmem>> -> memref<8x8x128xf32, #tpu.memory_space<vmem>>
        %dma_wait3A_406 = arith.constant 0 : i32
        %dma_wait3A_407 = arith.constant 0 : i32
        %dma_wait3A_408 = arith.constant 0 : i32
        %dma_wait3A_409 = tpu.memref_slice %arg5[%sub3A_225, %dma_wait3A_406, %add3A, %dma_wait3A_407, %dma_wait3A_408] : memref<200x8x32x8x128xf32, #tpu.memory_space<hbm>> -> memref<1x8x1x8x128xf32, #tpu.memory_space<hbm>>
        %dma_wait3A_410 = tpu.memref_squeeze %dma_wait3A_409 : memref<1x8x1x8x128xf32, #tpu.memory_space<hbm>> -> memref<8x8x128xf32, #tpu.memory_space<hbm>>
        %dma_wait3A_411 = arith.constant 0 : i32
        %dma_wait3A_412 = arith.constant 0 : i32
        %dma_wait3A_413 = arith.constant 0 : i32
        %dma_wait3A_414 = tpu.memref_slice %arg5[%sub3A_225, %dma_wait3A_411, %add3A, %dma_wait3A_412, %dma_wait3A_413] : memref<200x8x32x8x128xf32, #tpu.memory_space<hbm>> -> memref<1x8x1x8x128xf32, #tpu.memory_space<hbm>>
        %dma_wait3A_415 = tpu.memref_squeeze %dma_wait3A_414 : memref<1x8x1x8x128xf32, #tpu.memory_space<hbm>> -> memref<8x8x128xf32, #tpu.memory_space<hbm>>
        %dma_wait3A_416 = arith.constant 0 : i32
        %dma_wait3A_417 = arith.constant 0 : i32
        %dma_wait3A_418 = arith.constant 0 : i32
        %dma_wait3A_419 = tpu.memref_slice %arg19[%dma_wait3A_416, %dma_wait3A_417, %dma_wait3A_418] : memref<8x8x129xf32, #tpu.memory_space<vmem>> -> memref<8x8x128xf32, #tpu.memory_space<vmem>>
        tpu.wait_dma2 semaphore(%arg29 : memref<!tpu.dma_semaphore, #tpu.memory_space<semaphore_mem>>) src(%dma_wait3A_419 : memref<8x8x128xf32, #tpu.memory_space<vmem>>) dst(%dma_wait3A_415 : memref<8x8x128xf32, #tpu.memory_space<hbm>>)
      } else {
      }
      %scan3A_231 = arith.constant 0 : i32
      %scan3A_232 = arith.constant 0 : i32
      %scan3A_233 = arith.constant 32 : i32
      %scan3A_234 = arith.addi %scan3A_232, %scan3A_233 : i32
      %scan3A_235 = arith.constant 1 : i32
      scf.for %scan3A_402 = %scan3A_232 to %scan3A_234 step %scan3A_235  : i32 {
        %mul3A_403 = arith.constant 4 : i32
        %mul3A_404 = arith.muli %scan3A_402, %mul3A_403 : i32
        %add3A_405 = arith.constant 0 : i32
        %add3A_406 = arith.addi %mul3A_404, %add3A_405 : i32
        %broadcast_in_dim3A = vector.broadcast %add3A_406 : i32 to vector<16xi32>
        %add3A_407 = arith.constant 0 : i32
        %add3A_408 = arith.addi %mul3A_404, %add3A_407 : i32
        %get3A = arith.index_cast %add3A_408 : i32 to index
        %get3A_409 = arith.constant 0 : index
        %get3A_410 = tpu.vector_load %arg11[%get3A, %get3A_409] {strides = array<i32>} : memref<128x32xf32, #tpu.memory_space<vmem>>, vector<16xf32>,
        %add3A_411 = arith.constant 0 : i32
        %add3A_412 = arith.addi %mul3A_404, %add3A_411 : i32
        %get3A_413 = arith.index_cast %add3A_412 : i32 to index
        %get3A_414 = arith.constant 16 : index
        %get3A_415 = tpu.vector_load %arg11[%get3A_413, %get3A_414] {strides = array<i32>} : memref<128x32xf32, #tpu.memory_space<vmem>>, vector<16xf32>,
        %add3A_416 = arith.constant 0 : i32
        %add3A_417 = arith.addi %mul3A_404, %add3A_416 : i32
        %get3A_418 = arith.index_cast %add3A_417 : i32 to index
        %get3A_419 = arith.constant 0 : index
        %get3A_420 = tpu.vector_load %arg15[%get3A_418, %get3A_419] {strides = array<i32>} : memref<128x32xf32, #tpu.memory_space<vmem>>, vector<16xf32>,
        %add3A_421 = arith.constant 0 : i32
        %add3A_422 = arith.addi %mul3A_404, %add3A_421 : i32
        %get3A_423 = arith.index_cast %add3A_422 : i32 to index
        %get3A_424 = arith.constant 16 : index
        %get3A_425 = tpu.vector_load %arg15[%get3A_423, %get3A_424] {strides = array<i32>} : memref<128x32xf32, #tpu.memory_space<vmem>>, vector<16xf32>,
        tpu.vector_store_idx %arg19[%shift_right_arithmetic3A_5, %and3A_28, %broadcast_in_dim3A], %get3A_410 : memref<8x8x129xf32, #tpu.memory_space<vmem>>[vector<16xi32>, vector<16xi32>, vector<16xi32>], vector<16xf32>,
        tpu.vector_store_idx %arg19[%shift_right_arithmetic3A_11, %and3A_34, %broadcast_in_dim3A], %get3A_415 : memref<8x8x129xf32, #tpu.memory_space<vmem>>[vector<16xi32>, vector<16xi32>, vector<16xi32>], vector<16xf32>,
        tpu.vector_store_idx %arg19[%shift_right_arithmetic3A_17, %and3A_40, %broadcast_in_dim3A], %get3A_420 : memref<8x8x129xf32, #tpu.memory_space<vmem>>[vector<16xi32>, vector<16xi32>, vector<16xi32>], vector<16xf32>,
        tpu.vector_store_idx %arg19[%shift_right_arithmetic3A_23, %and3A_46, %broadcast_in_dim3A], %get3A_425 : memref<8x8x129xf32, #tpu.memory_space<vmem>>[vector<16xi32>, vector<16xi32>, vector<16xi32>], vector<16xf32>,
        %add3A_426 = arith.constant 1 : i32
        %add3A_427 = arith.addi %mul3A_404, %add3A_426 : i32
        %broadcast_in_dim3A_428 = vector.broadcast %add3A_427 : i32 to vector<16xi32>
        %add3A_429 = arith.constant 1 : i32
        %add3A_430 = arith.addi %mul3A_404, %add3A_429 : i32
        %get3A_431 = arith.index_cast %add3A_430 : i32 to index
        %get3A_432 = arith.constant 0 : index
        %get3A_433 = tpu.vector_load %arg11[%get3A_431, %get3A_432] {strides = array<i32>} : memref<128x32xf32, #tpu.memory_space<vmem>>, vector<16xf32>,
        %add3A_434 = arith.constant 1 : i32
        %add3A_435 = arith.addi %mul3A_404, %add3A_434 : i32
        %get3A_436 = arith.index_cast %add3A_435 : i32 to index
        %get3A_437 = arith.constant 16 : index
        %get3A_438 = tpu.vector_load %arg11[%get3A_436, %get3A_437] {strides = array<i32>} : memref<128x32xf32, #tpu.memory_space<vmem>>, vector<16xf32>,
        %add3A_439 = arith.constant 1 : i32
        %add3A_440 = arith.addi %mul3A_404, %add3A_439 : i32
        %get3A_441 = arith.index_cast %add3A_440 : i32 to index
        %get3A_442 = arith.constant 0 : index
        %get3A_443 = tpu.vector_load %arg15[%get3A_441, %get3A_442] {strides = array<i32>} : memref<128x32xf32, #tpu.memory_space<vmem>>, vector<16xf32>,
        %add3A_444 = arith.constant 1 : i32
        %add3A_445 = arith.addi %mul3A_404, %add3A_444 : i32
        %get3A_446 = arith.index_cast %add3A_445 : i32 to index
        %get3A_447 = arith.constant 16 : index
        %get3A_448 = tpu.vector_load %arg15[%get3A_446, %get3A_447] {strides = array<i32>} : memref<128x32xf32, #tpu.memory_space<vmem>>, vector<16xf32>,
        tpu.vector_store_idx %arg19[%shift_right_arithmetic3A_5, %and3A_28, %broadcast_in_dim3A_428], %get3A_433 : memref<8x8x129xf32, #tpu.memory_space<vmem>>[vector<16xi32>, vector<16xi32>, vector<16xi32>], vector<16xf32>,
        tpu.vector_store_idx %arg19[%shift_right_arithmetic3A_11, %and3A_34, %broadcast_in_dim3A_428], %get3A_438 : memref<8x8x129xf32, #tpu.memory_space<vmem>>[vector<16xi32>, vector<16xi32>, vector<16xi32>], vector<16xf32>,
        tpu.vector_store_idx %arg19[%shift_right_arithmetic3A_17, %and3A_40, %broadcast_in_dim3A_428], %get3A_443 : memref<8x8x129xf32, #tpu.memory_space<vmem>>[vector<16xi32>, vector<16xi32>, vector<16xi32>], vector<16xf32>,
        tpu.vector_store_idx %arg19[%shift_right_arithmetic3A_23, %and3A_46, %broadcast_in_dim3A_428], %get3A_448 : memref<8x8x129xf32, #tpu.memory_space<vmem>>[vector<16xi32>, vector<16xi32>, vector<16xi32>], vector<16xf32>,
        %add3A_449 = arith.constant 2 : i32
        %add3A_450 = arith.addi %mul3A_404, %add3A_449 : i32
        %broadcast_in_dim3A_451 = vector.broadcast %add3A_450 : i32 to vector<16xi32>
        %add3A_452 = arith.constant 2 : i32
        %add3A_453 = arith.addi %mul3A_404, %add3A_452 : i32
        %get3A_454 = arith.index_cast %add3A_453 : i32 to index
        %get3A_455 = arith.constant 0 : index
        %get3A_456 = tpu.vector_load %arg11[%get3A_454, %get3A_455] {strides = array<i32>} : memref<128x32xf32, #tpu.memory_space<vmem>>, vector<16xf32>,
        %add3A_457 = arith.constant 2 : i32
        %add3A_458 = arith.addi %mul3A_404, %add3A_457 : i32
        %get3A_459 = arith.index_cast %add3A_458 : i32 to index
        %get3A_460 = arith.constant 16 : index
        %get3A_461 = tpu.vector_load %arg11[%get3A_459, %get3A_460] {strides = array<i32>} : memref<128x32xf32, #tpu.memory_space<vmem>>, vector<16xf32>,
        %add3A_462 = arith.constant 2 : i32
        %add3A_463 = arith.addi %mul3A_404, %add3A_462 : i32
        %get3A_464 = arith.index_cast %add3A_463 : i32 to index
        %get3A_465 = arith.constant 0 : index
        %get3A_466 = tpu.vector_load %arg15[%get3A_464, %get3A_465] {strides = array<i32>} : memref<128x32xf32, #tpu.memory_space<vmem>>, vector<16xf32>,
        %add3A_467 = arith.constant 2 : i32
        %add3A_468 = arith.addi %mul3A_404, %add3A_467 : i32
        %get3A_469 = arith.index_cast %add3A_468 : i32 to index
        %get3A_470 = arith.constant 16 : index
        %get3A_471 = tpu.vector_load %arg15[%get3A_469, %get3A_470] {strides = array<i32>} : memref<128x32xf32, #tpu.memory_space<vmem>>, vector<16xf32>,
        tpu.vector_store_idx %arg19[%shift_right_arithmetic3A_5, %and3A_28, %broadcast_in_dim3A_451], %get3A_456 : memref<8x8x129xf32, #tpu.memory_space<vmem>>[vector<16xi32>, vector<16xi32>, vector<16xi32>], vector<16xf32>,
        tpu.vector_store_idx %arg19[%shift_right_arithmetic3A_11, %and3A_34, %broadcast_in_dim3A_451], %get3A_461 : memref<8x8x129xf32, #tpu.memory_space<vmem>>[vector<16xi32>, vector<16xi32>, vector<16xi32>], vector<16xf32>,
        tpu.vector_store_idx %arg19[%shift_right_arithmetic3A_17, %and3A_40, %broadcast_in_dim3A_451], %get3A_466 : memref<8x8x129xf32, #tpu.memory_space<vmem>>[vector<16xi32>, vector<16xi32>, vector<16xi32>], vector<16xf32>,
        tpu.vector_store_idx %arg19[%shift_right_arithmetic3A_23, %and3A_46, %broadcast_in_dim3A_451], %get3A_471 : memref<8x8x129xf32, #tpu.memory_space<vmem>>[vector<16xi32>, vector<16xi32>, vector<16xi32>], vector<16xf32>,
        %add3A_472 = arith.constant 3 : i32
        %add3A_473 = arith.addi %mul3A_404, %add3A_472 : i32
        %broadcast_in_dim3A_474 = vector.broadcast %add3A_473 : i32 to vector<16xi32>
        %add3A_475 = arith.constant 3 : i32
        %add3A_476 = arith.addi %mul3A_404, %add3A_475 : i32
        %get3A_477 = arith.index_cast %add3A_476 : i32 to index
        %get3A_478 = arith.constant 0 : index
        %get3A_479 = tpu.vector_load %arg11[%get3A_477, %get3A_478] {strides = array<i32>} : memref<128x32xf32, #tpu.memory_space<vmem>>, vector<16xf32>,
        %add3A_480 = arith.constant 3 : i32
        %add3A_481 = arith.addi %mul3A_404, %add3A_480 : i32
        %get3A_482 = arith.index_cast %add3A_481 : i32 to index
        %get3A_483 = arith.constant 16 : index
        %get3A_484 = tpu.vector_load %arg11[%get3A_482, %get3A_483] {strides = array<i32>} : memref<128x32xf32, #tpu.memory_space<vmem>>, vector<16xf32>,
        %add3A_485 = arith.constant 3 : i32
        %add3A_486 = arith.addi %mul3A_404, %add3A_485 : i32
        %get3A_487 = arith.index_cast %add3A_486 : i32 to index
        %get3A_488 = arith.constant 0 : index
        %get3A_489 = tpu.vector_load %arg15[%get3A_487, %get3A_488] {strides = array<i32>} : memref<128x32xf32, #tpu.memory_space<vmem>>, vector<16xf32>,
        %add3A_490 = arith.constant 3 : i32
        %add3A_491 = arith.addi %mul3A_404, %add3A_490 : i32
        %get3A_492 = arith.index_cast %add3A_491 : i32 to index
        %get3A_493 = arith.constant 16 : index
        %get3A_494 = tpu.vector_load %arg15[%get3A_492, %get3A_493] {strides = array<i32>} : memref<128x32xf32, #tpu.memory_space<vmem>>, vector<16xf32>,
        tpu.vector_store_idx %arg19[%shift_right_arithmetic3A_5, %and3A_28, %broadcast_in_dim3A_474], %get3A_479 : memref<8x8x129xf32, #tpu.memory_space<vmem>>[vector<16xi32>, vector<16xi32>, vector<16xi32>], vector<16xf32>,
        tpu.vector_store_idx %arg19[%shift_right_arithmetic3A_11, %and3A_34, %broadcast_in_dim3A_474], %get3A_484 : memref<8x8x129xf32, #tpu.memory_space<vmem>>[vector<16xi32>, vector<16xi32>, vector<16xi32>], vector<16xf32>,
        tpu.vector_store_idx %arg19[%shift_right_arithmetic3A_17, %and3A_40, %broadcast_in_dim3A_474], %get3A_489 : memref<8x8x129xf32, #tpu.memory_space<vmem>>[vector<16xi32>, vector<16xi32>, vector<16xi32>], vector<16xf32>,
        tpu.vector_store_idx %arg19[%shift_right_arithmetic3A_23, %and3A_46, %broadcast_in_dim3A_474], %get3A_494 : memref<8x8x129xf32, #tpu.memory_space<vmem>>[vector<16xi32>, vector<16xi32>, vector<16xi32>], vector<16xf32>,
      }
      %scan3A_236 = arith.constant 32 : i32
      %add3A_237 = arith.constant 1 : i32
      %add3A_238 = arith.addi %mul3A_170, %add3A_237 : i32
      %dma_start3A_239 = arith.constant 0 : i32
      %dma_start3A_240 = arith.constant 0 : i32
      %dma_start3A_241 = arith.constant 0 : i32
      %dma_start3A_242 = tpu.memref_slice %arg19[%dma_start3A_239, %dma_start3A_240, %dma_start3A_241] : memref<8x8x129xf32, #tpu.memory_space<vmem>> -> memref<8x8x128xf32, #tpu.memory_space<vmem>>
      %dma_start3A_243 = arith.constant 0 : i32
      %dma_start3A_244 = arith.constant 0 : i32
      %dma_start3A_245 = arith.constant 0 : i32
      %dma_start3A_246 = tpu.memref_slice %arg5[%add3A_238, %dma_start3A_243, %add3A, %dma_start3A_244, %dma_start3A_245] : memref<200x8x32x8x128xf32, #tpu.memory_space<hbm>> -> memref<1x8x1x8x128xf32, #tpu.memory_space<hbm>>
      %dma_start3A_247 = tpu.memref_squeeze %dma_start3A_246 : memref<1x8x1x8x128xf32, #tpu.memory_space<hbm>> -> memref<8x8x128xf32, #tpu.memory_space<hbm>>
      %dma_start3A_248 = arith.constant 0 : i32
      %dma_start3A_249 = arith.constant 0 : i32
      %dma_start3A_250 = arith.constant 0 : i32
      %dma_start3A_251 = tpu.memref_slice %arg5[%add3A_238, %dma_start3A_248, %add3A, %dma_start3A_249, %dma_start3A_250] : memref<200x8x32x8x128xf32, #tpu.memory_space<hbm>> -> memref<1x8x1x8x128xf32, #tpu.memory_space<hbm>>
      %dma_start3A_252 = tpu.memref_squeeze %dma_start3A_251 : memref<1x8x1x8x128xf32, #tpu.memory_space<hbm>> -> memref<8x8x128xf32, #tpu.memory_space<hbm>>
      %dma_start3A_253 = arith.constant 0 : i32
      %dma_start3A_254 = arith.constant 0 : i32
      %dma_start3A_255 = arith.constant 0 : i32
      %dma_start3A_256 = tpu.memref_slice %arg19[%dma_start3A_253, %dma_start3A_254, %dma_start3A_255] : memref<8x8x129xf32, #tpu.memory_space<vmem>> -> memref<8x8x128xf32, #tpu.memory_space<vmem>>
      tpu.enqueue_dma source(%dma_start3A_256 : memref<8x8x128xf32, #tpu.memory_space<vmem>>) target(%dma_start3A_252 : memref<8x8x128xf32, #tpu.memory_space<hbm>>) target_semaphore(%arg29 : memref<!tpu.dma_semaphore, #tpu.memory_space<semaphore_mem>>)
      %add3A_257 = arith.constant 4 : i32
      %add3A_258 = arith.addi %mul3A_170, %add3A_257 : i32
      %add3A_259 = arith.constant 1 : i32
      %add3A_260 = arith.addi %add3A_258, %add3A_259 : i32
      %lt3A_261 = arith.constant 200 : i32
      %lt3A_262 = arith.cmpi slt, %add3A_260, %lt3A_261 : i32
      %convert_element_type3A_263 = arith.extui %lt3A_262 : i1 to i32
      %cond3A_264 = arith.constant 0 : i32
      %cond3A_265 = arith.cmpi ne, %convert_element_type3A_263, %cond3A_264 : i32
      scf.if %cond3A_265 {
        %mul3A_402 = arith.constant 128 : i32
        %mul3A_403 = arith.muli %add3A, %mul3A_402 : i32
        %dma_start3A_404 = tpu.memref_slice %arg4[%add3A_260, %mul3A_403] : memref<200x4096xi32, #tpu.memory_space<hbm>> -> memref<1x128xi32, #tpu.memory_space<hbm>>
        %dma_start3A_405 = tpu.memref_squeeze %dma_start3A_404 : memref<1x128xi32, #tpu.memory_space<hbm>> -> memref<128xi32, #tpu.memory_space<hbm>>
        %dma_start3A_406 = tpu.memref_slice %arg4[%add3A_260, %mul3A_403] : memref<200x4096xi32, #tpu.memory_space<hbm>> -> memref<1x128xi32, #tpu.memory_space<hbm>>
        %dma_start3A_407 = tpu.memref_squeeze %dma_start3A_406 : memref<1x128xi32, #tpu.memory_space<hbm>> -> memref<128xi32, #tpu.memory_space<hbm>>
        tpu.enqueue_dma source(%dma_start3A_407 : memref<128xi32, #tpu.memory_space<hbm>>) target(%arg7 : memref<128xi32, #tpu.memory_space<vmem>>) target_semaphore(%arg21 : memref<!tpu.dma_semaphore, #tpu.memory_space<semaphore_mem>>)
      } else {
      }
      %dma_wait3A_266 = arith.constant 0 : i32
      %dma_wait3A_267 = arith.constant 0 : i32
      %dma_wait3A_268 = tpu.memref_slice %arg2[%dma_wait3A_266, %dma_wait3A_267] : memref<1000000x32xf32, #tpu.memory_space<hbm>> -> memref<1000000x32xf32, #tpu.memory_space<hbm>>
      tpu.wait_indirect_dma semaphore(%arg26 : memref<!tpu.dma_semaphore, #tpu.memory_space<semaphore_mem>>) src(%dma_wait3A_268 : memref<1000000x32xf32, #tpu.memory_space<hbm>>) dst(%arg12 : memref<128x32xf32, #tpu.memory_space<vmem>>)
      %dma_wait3A_269 = arith.constant 0 : i32
      %dma_wait3A_270 = arith.constant 0 : i32
      %dma_wait3A_271 = tpu.memref_slice %arg3[%dma_wait3A_269, %dma_wait3A_270] : memref<1000000x32xf32, #tpu.memory_space<hbm>> -> memref<1000000x32xf32, #tpu.memory_space<hbm>>
      tpu.wait_indirect_dma semaphore(%arg26 : memref<!tpu.dma_semaphore, #tpu.memory_space<semaphore_mem>>) src(%dma_wait3A_271 : memref<1000000x32xf32, #tpu.memory_space<hbm>>) dst(%arg16 : memref<128x32xf32, #tpu.memory_space<vmem>>)
      %add3A_272 = arith.constant 2 : i32
      %add3A_273 = arith.addi %mul3A_170, %add3A_272 : i32
      %sub3A_274 = arith.constant 2 : i32
      %sub3A_275 = arith.subi %add3A_273, %sub3A_274 : i32
      %ge3A_276 = arith.constant 0 : i32
      %ge3A_277 = arith.cmpi sge, %sub3A_275, %ge3A_276 : i32
      %convert_element_type3A_278 = arith.extui %ge3A_277 : i1 to i32
      %cond3A_279 = arith.constant 0 : i32
      %cond3A_280 = arith.cmpi ne, %convert_element_type3A_278, %cond3A_279 : i32
      scf.if %cond3A_280 {
        %dma_wait3A_402 = arith.constant 0 : i32
        %dma_wait3A_403 = arith.constant 0 : i32
        %dma_wait3A_404 = arith.constant 0 : i32
        %dma_wait3A_405 = tpu.memref_slice %arg18[%dma_wait3A_402, %dma_wait3A_403, %dma_wait3A_404] : memref<8x8x129xf32, #tpu.memory_space<vmem>> -> memref<8x8x128xf32, #tpu.memory_space<vmem>>
        %dma_wait3A_406 = arith.constant 0 : i32
        %dma_wait3A_407 = arith.constant 0 : i32
        %dma_wait3A_408 = arith.constant 0 : i32
        %dma_wait3A_409 = tpu.memref_slice %arg5[%sub3A_275, %dma_wait3A_406, %add3A, %dma_wait3A_407, %dma_wait3A_408] : memref<200x8x32x8x128xf32, #tpu.memory_space<hbm>> -> memref<1x8x1x8x128xf32, #tpu.memory_space<hbm>>
        %dma_wait3A_410 = tpu.memref_squeeze %dma_wait3A_409 : memref<1x8x1x8x128xf32, #tpu.memory_space<hbm>> -> memref<8x8x128xf32, #tpu.memory_space<hbm>>
        %dma_wait3A_411 = arith.constant 0 : i32
        %dma_wait3A_412 = arith.constant 0 : i32
        %dma_wait3A_413 = arith.constant 0 : i32
        %dma_wait3A_414 = tpu.memref_slice %arg5[%sub3A_275, %dma_wait3A_411, %add3A, %dma_wait3A_412, %dma_wait3A_413] : memref<200x8x32x8x128xf32, #tpu.memory_space<hbm>> -> memref<1x8x1x8x128xf32, #tpu.memory_space<hbm>>
        %dma_wait3A_415 = tpu.memref_squeeze %dma_wait3A_414 : memref<1x8x1x8x128xf32, #tpu.memory_space<hbm>> -> memref<8x8x128xf32, #tpu.memory_space<hbm>>
        %dma_wait3A_416 = arith.constant 0 : i32
        %dma_wait3A_417 = arith.constant 0 : i32
        %dma_wait3A_418 = arith.constant 0 : i32
        %dma_wait3A_419 = tpu.memref_slice %arg18[%dma_wait3A_416, %dma_wait3A_417, %dma_wait3A_418] : memref<8x8x129xf32, #tpu.memory_space<vmem>> -> memref<8x8x128xf32, #tpu.memory_space<vmem>>
        tpu.wait_dma2 semaphore(%arg28 : memref<!tpu.dma_semaphore, #tpu.memory_space<semaphore_mem>>) src(%dma_wait3A_419 : memref<8x8x128xf32, #tpu.memory_space<vmem>>) dst(%dma_wait3A_415 : memref<8x8x128xf32, #tpu.memory_space<hbm>>)
      } else {
      }
      %scan3A_281 = arith.constant 0 : i32
      %scan3A_282 = arith.constant 0 : i32
      %scan3A_283 = arith.constant 32 : i32
      %scan3A_284 = arith.addi %scan3A_282, %scan3A_283 : i32
      %scan3A_285 = arith.constant 1 : i32
      scf.for %scan3A_402 = %scan3A_282 to %scan3A_284 step %scan3A_285  : i32 {
        %mul3A_403 = arith.constant 4 : i32
        %mul3A_404 = arith.muli %scan3A_402, %mul3A_403 : i32
        %add3A_405 = arith.constant 0 : i32
        %add3A_406 = arith.addi %mul3A_404, %add3A_405 : i32
        %broadcast_in_dim3A = vector.broadcast %add3A_406 : i32 to vector<16xi32>
        %add3A_407 = arith.constant 0 : i32
        %add3A_408 = arith.addi %mul3A_404, %add3A_407 : i32
        %get3A = arith.index_cast %add3A_408 : i32 to index
        %get3A_409 = arith.constant 0 : index
        %get3A_410 = tpu.vector_load %arg12[%get3A, %get3A_409] {strides = array<i32>} : memref<128x32xf32, #tpu.memory_space<vmem>>, vector<16xf32>,
        %add3A_411 = arith.constant 0 : i32
        %add3A_412 = arith.addi %mul3A_404, %add3A_411 : i32
        %get3A_413 = arith.index_cast %add3A_412 : i32 to index
        %get3A_414 = arith.constant 16 : index
        %get3A_415 = tpu.vector_load %arg12[%get3A_413, %get3A_414] {strides = array<i32>} : memref<128x32xf32, #tpu.memory_space<vmem>>, vector<16xf32>,
        %add3A_416 = arith.constant 0 : i32
        %add3A_417 = arith.addi %mul3A_404, %add3A_416 : i32
        %get3A_418 = arith.index_cast %add3A_417 : i32 to index
        %get3A_419 = arith.constant 0 : index
        %get3A_420 = tpu.vector_load %arg16[%get3A_418, %get3A_419] {strides = array<i32>} : memref<128x32xf32, #tpu.memory_space<vmem>>, vector<16xf32>,
        %add3A_421 = arith.constant 0 : i32
        %add3A_422 = arith.addi %mul3A_404, %add3A_421 : i32
        %get3A_423 = arith.index_cast %add3A_422 : i32 to index
        %get3A_424 = arith.constant 16 : index
        %get3A_425 = tpu.vector_load %arg16[%get3A_423, %get3A_424] {strides = array<i32>} : memref<128x32xf32, #tpu.memory_space<vmem>>, vector<16xf32>,
        tpu.vector_store_idx %arg18[%shift_right_arithmetic3A_5, %and3A_28, %broadcast_in_dim3A], %get3A_410 : memref<8x8x129xf32, #tpu.memory_space<vmem>>[vector<16xi32>, vector<16xi32>, vector<16xi32>], vector<16xf32>,
        tpu.vector_store_idx %arg18[%shift_right_arithmetic3A_11, %and3A_34, %broadcast_in_dim3A], %get3A_415 : memref<8x8x129xf32, #tpu.memory_space<vmem>>[vector<16xi32>, vector<16xi32>, vector<16xi32>], vector<16xf32>,
        tpu.vector_store_idx %arg18[%shift_right_arithmetic3A_17, %and3A_40, %broadcast_in_dim3A], %get3A_420 : memref<8x8x129xf32, #tpu.memory_space<vmem>>[vector<16xi32>, vector<16xi32>, vector<16xi32>], vector<16xf32>,
        tpu.vector_store_idx %arg18[%shift_right_arithmetic3A_23, %and3A_46, %broadcast_in_dim3A], %get3A_425 : memref<8x8x129xf32, #tpu.memory_space<vmem>>[vector<16xi32>, vector<16xi32>, vector<16xi32>], vector<16xf32>,
        %add3A_426 = arith.constant 1 : i32
        %add3A_427 = arith.addi %mul3A_404, %add3A_426 : i32
        %broadcast_in_dim3A_428 = vector.broadcast %add3A_427 : i32 to vector<16xi32>
        %add3A_429 = arith.constant 1 : i32
        %add3A_430 = arith.addi %mul3A_404, %add3A_429 : i32
        %get3A_431 = arith.index_cast %add3A_430 : i32 to index
        %get3A_432 = arith.constant 0 : index
        %get3A_433 = tpu.vector_load %arg12[%get3A_431, %get3A_432] {strides = array<i32>} : memref<128x32xf32, #tpu.memory_space<vmem>>, vector<16xf32>,
        %add3A_434 = arith.constant 1 : i32
        %add3A_435 = arith.addi %mul3A_404, %add3A_434 : i32
        %get3A_436 = arith.index_cast %add3A_435 : i32 to index
        %get3A_437 = arith.constant 16 : index
        %get3A_438 = tpu.vector_load %arg12[%get3A_436, %get3A_437] {strides = array<i32>} : memref<128x32xf32, #tpu.memory_space<vmem>>, vector<16xf32>,
        %add3A_439 = arith.constant 1 : i32
        %add3A_440 = arith.addi %mul3A_404, %add3A_439 : i32
        %get3A_441 = arith.index_cast %add3A_440 : i32 to index
        %get3A_442 = arith.constant 0 : index
        %get3A_443 = tpu.vector_load %arg16[%get3A_441, %get3A_442] {strides = array<i32>} : memref<128x32xf32, #tpu.memory_space<vmem>>, vector<16xf32>,
        %add3A_444 = arith.constant 1 : i32
        %add3A_445 = arith.addi %mul3A_404, %add3A_444 : i32
        %get3A_446 = arith.index_cast %add3A_445 : i32 to index
        %get3A_447 = arith.constant 16 : index
        %get3A_448 = tpu.vector_load %arg16[%get3A_446, %get3A_447] {strides = array<i32>} : memref<128x32xf32, #tpu.memory_space<vmem>>, vector<16xf32>,
        tpu.vector_store_idx %arg18[%shift_right_arithmetic3A_5, %and3A_28, %broadcast_in_dim3A_428], %get3A_433 : memref<8x8x129xf32, #tpu.memory_space<vmem>>[vector<16xi32>, vector<16xi32>, vector<16xi32>], vector<16xf32>,
        tpu.vector_store_idx %arg18[%shift_right_arithmetic3A_11, %and3A_34, %broadcast_in_dim3A_428], %get3A_438 : memref<8x8x129xf32, #tpu.memory_space<vmem>>[vector<16xi32>, vector<16xi32>, vector<16xi32>], vector<16xf32>,
        tpu.vector_store_idx %arg18[%shift_right_arithmetic3A_17, %and3A_40, %broadcast_in_dim3A_428], %get3A_443 : memref<8x8x129xf32, #tpu.memory_space<vmem>>[vector<16xi32>, vector<16xi32>, vector<16xi32>], vector<16xf32>,
        tpu.vector_store_idx %arg18[%shift_right_arithmetic3A_23, %and3A_46, %broadcast_in_dim3A_428], %get3A_448 : memref<8x8x129xf32, #tpu.memory_space<vmem>>[vector<16xi32>, vector<16xi32>, vector<16xi32>], vector<16xf32>,
        %add3A_449 = arith.constant 2 : i32
        %add3A_450 = arith.addi %mul3A_404, %add3A_449 : i32
        %broadcast_in_dim3A_451 = vector.broadcast %add3A_450 : i32 to vector<16xi32>
        %add3A_452 = arith.constant 2 : i32
        %add3A_453 = arith.addi %mul3A_404, %add3A_452 : i32
        %get3A_454 = arith.index_cast %add3A_453 : i32 to index
        %get3A_455 = arith.constant 0 : index
        %get3A_456 = tpu.vector_load %arg12[%get3A_454, %get3A_455] {strides = array<i32>} : memref<128x32xf32, #tpu.memory_space<vmem>>, vector<16xf32>,
        %add3A_457 = arith.constant 2 : i32
        %add3A_458 = arith.addi %mul3A_404, %add3A_457 : i32
        %get3A_459 = arith.index_cast %add3A_458 : i32 to index
        %get3A_460 = arith.constant 16 : index
        %get3A_461 = tpu.vector_load %arg12[%get3A_459, %get3A_460] {strides = array<i32>} : memref<128x32xf32, #tpu.memory_space<vmem>>, vector<16xf32>,
        %add3A_462 = arith.constant 2 : i32
        %add3A_463 = arith.addi %mul3A_404, %add3A_462 : i32
        %get3A_464 = arith.index_cast %add3A_463 : i32 to index
        %get3A_465 = arith.constant 0 : index
        %get3A_466 = tpu.vector_load %arg16[%get3A_464, %get3A_465] {strides = array<i32>} : memref<128x32xf32, #tpu.memory_space<vmem>>, vector<16xf32>,
        %add3A_467 = arith.constant 2 : i32
        %add3A_468 = arith.addi %mul3A_404, %add3A_467 : i32
        %get3A_469 = arith.index_cast %add3A_468 : i32 to index
        %get3A_470 = arith.constant 16 : index
        %get3A_471 = tpu.vector_load %arg16[%get3A_469, %get3A_470] {strides = array<i32>} : memref<128x32xf32, #tpu.memory_space<vmem>>, vector<16xf32>,
        tpu.vector_store_idx %arg18[%shift_right_arithmetic3A_5, %and3A_28, %broadcast_in_dim3A_451], %get3A_456 : memref<8x8x129xf32, #tpu.memory_space<vmem>>[vector<16xi32>, vector<16xi32>, vector<16xi32>], vector<16xf32>,
        tpu.vector_store_idx %arg18[%shift_right_arithmetic3A_11, %and3A_34, %broadcast_in_dim3A_451], %get3A_461 : memref<8x8x129xf32, #tpu.memory_space<vmem>>[vector<16xi32>, vector<16xi32>, vector<16xi32>], vector<16xf32>,
        tpu.vector_store_idx %arg18[%shift_right_arithmetic3A_17, %and3A_40, %broadcast_in_dim3A_451], %get3A_466 : memref<8x8x129xf32, #tpu.memory_space<vmem>>[vector<16xi32>, vector<16xi32>, vector<16xi32>], vector<16xf32>,
        tpu.vector_store_idx %arg18[%shift_right_arithmetic3A_23, %and3A_46, %broadcast_in_dim3A_451], %get3A_471 : memref<8x8x129xf32, #tpu.memory_space<vmem>>[vector<16xi32>, vector<16xi32>, vector<16xi32>], vector<16xf32>,
        %add3A_472 = arith.constant 3 : i32
        %add3A_473 = arith.addi %mul3A_404, %add3A_472 : i32
        %broadcast_in_dim3A_474 = vector.broadcast %add3A_473 : i32 to vector<16xi32>
        %add3A_475 = arith.constant 3 : i32
        %add3A_476 = arith.addi %mul3A_404, %add3A_475 : i32
        %get3A_477 = arith.index_cast %add3A_476 : i32 to index
        %get3A_478 = arith.constant 0 : index
        %get3A_479 = tpu.vector_load %arg12[%get3A_477, %get3A_478] {strides = array<i32>} : memref<128x32xf32, #tpu.memory_space<vmem>>, vector<16xf32>,
        %add3A_480 = arith.constant 3 : i32
        %add3A_481 = arith.addi %mul3A_404, %add3A_480 : i32
        %get3A_482 = arith.index_cast %add3A_481 : i32 to index
        %get3A_483 = arith.constant 16 : index
        %get3A_484 = tpu.vector_load %arg12[%get3A_482, %get3A_483] {strides = array<i32>} : memref<128x32xf32, #tpu.memory_space<vmem>>, vector<16xf32>,
        %add3A_485 = arith.constant 3 : i32
        %add3A_486 = arith.addi %mul3A_404, %add3A_485 : i32
        %get3A_487 = arith.index_cast %add3A_486 : i32 to index
        %get3A_488 = arith.constant 0 : index
        %get3A_489 = tpu.vector_load %arg16[%get3A_487, %get3A_488] {strides = array<i32>} : memref<128x32xf32, #tpu.memory_space<vmem>>, vector<16xf32>,
        %add3A_490 = arith.constant 3 : i32
        %add3A_491 = arith.addi %mul3A_404, %add3A_490 : i32
        %get3A_492 = arith.index_cast %add3A_491 : i32 to index
        %get3A_493 = arith.constant 16 : index
        %get3A_494 = tpu.vector_load %arg16[%get3A_492, %get3A_493] {strides = array<i32>} : memref<128x32xf32, #tpu.memory_space<vmem>>, vector<16xf32>,
        tpu.vector_store_idx %arg18[%shift_right_arithmetic3A_5, %and3A_28, %broadcast_in_dim3A_474], %get3A_479 : memref<8x8x129xf32, #tpu.memory_space<vmem>>[vector<16xi32>, vector<16xi32>, vector<16xi32>], vector<16xf32>,
        tpu.vector_store_idx %arg18[%shift_right_arithmetic3A_11, %and3A_34, %broadcast_in_dim3A_474], %get3A_484 : memref<8x8x129xf32, #tpu.memory_space<vmem>>[vector<16xi32>, vector<16xi32>, vector<16xi32>], vector<16xf32>,
        tpu.vector_store_idx %arg18[%shift_right_arithmetic3A_17, %and3A_40, %broadcast_in_dim3A_474], %get3A_489 : memref<8x8x129xf32, #tpu.memory_space<vmem>>[vector<16xi32>, vector<16xi32>, vector<16xi32>], vector<16xf32>,
        tpu.vector_store_idx %arg18[%shift_right_arithmetic3A_23, %and3A_46, %broadcast_in_dim3A_474], %get3A_494 : memref<8x8x129xf32, #tpu.memory_space<vmem>>[vector<16xi32>, vector<16xi32>, vector<16xi32>], vector<16xf32>,
      }
      %scan3A_286 = arith.constant 32 : i32
      %add3A_287 = arith.constant 2 : i32
      %add3A_288 = arith.addi %mul3A_170, %add3A_287 : i32
      %dma_start3A_289 = arith.constant 0 : i32
      %dma_start3A_290 = arith.constant 0 : i32
      %dma_start3A_291 = arith.constant 0 : i32
      %dma_start3A_292 = tpu.memref_slice %arg18[%dma_start3A_289, %dma_start3A_290, %dma_start3A_291] : memref<8x8x129xf32, #tpu.memory_space<vmem>> -> memref<8x8x128xf32, #tpu.memory_space<vmem>>
      %dma_start3A_293 = arith.constant 0 : i32
      %dma_start3A_294 = arith.constant 0 : i32
      %dma_start3A_295 = arith.constant 0 : i32
      %dma_start3A_296 = tpu.memref_slice %arg5[%add3A_288, %dma_start3A_293, %add3A, %dma_start3A_294, %dma_start3A_295] : memref<200x8x32x8x128xf32, #tpu.memory_space<hbm>> -> memref<1x8x1x8x128xf32, #tpu.memory_space<hbm>>
      %dma_start3A_297 = tpu.memref_squeeze %dma_start3A_296 : memref<1x8x1x8x128xf32, #tpu.memory_space<hbm>> -> memref<8x8x128xf32, #tpu.memory_space<hbm>>
      %dma_start3A_298 = arith.constant 0 : i32
      %dma_start3A_299 = arith.constant 0 : i32
      %dma_start3A_300 = arith.constant 0 : i32
      %dma_start3A_301 = tpu.memref_slice %arg5[%add3A_288, %dma_start3A_298, %add3A, %dma_start3A_299, %dma_start3A_300] : memref<200x8x32x8x128xf32, #tpu.memory_space<hbm>> -> memref<1x8x1x8x128xf32, #tpu.memory_space<hbm>>
      %dma_start3A_302 = tpu.memref_squeeze %dma_start3A_301 : memref<1x8x1x8x128xf32, #tpu.memory_space<hbm>> -> memref<8x8x128xf32, #tpu.memory_space<hbm>>
      %dma_start3A_303 = arith.constant 0 : i32
      %dma_start3A_304 = arith.constant 0 : i32
      %dma_start3A_305 = arith.constant 0 : i32
      %dma_start3A_306 = tpu.memref_slice %arg18[%dma_start3A_303, %dma_start3A_304, %dma_start3A_305] : memref<8x8x129xf32, #tpu.memory_space<vmem>> -> memref<8x8x128xf32, #tpu.memory_space<vmem>>
      tpu.enqueue_dma source(%dma_start3A_306 : memref<8x8x128xf32, #tpu.memory_space<vmem>>) target(%dma_start3A_302 : memref<8x8x128xf32, #tpu.memory_space<hbm>>) target_semaphore(%arg28 : memref<!tpu.dma_semaphore, #tpu.memory_space<semaphore_mem>>)
      %add3A_307 = arith.constant 4 : i32
      %add3A_308 = arith.addi %mul3A_170, %add3A_307 : i32
      %add3A_309 = arith.constant 2 : i32
      %add3A_310 = arith.addi %add3A_308, %add3A_309 : i32
      %lt3A_311 = arith.constant 200 : i32
      %lt3A_312 = arith.cmpi slt, %add3A_310, %lt3A_311 : i32
      %convert_element_type3A_313 = arith.extui %lt3A_312 : i1 to i32
      %cond3A_314 = arith.constant 0 : i32
      %cond3A_315 = arith.cmpi ne, %convert_element_type3A_313, %cond3A_314 : i32
      scf.if %cond3A_315 {
        %mul3A_402 = arith.constant 128 : i32
        %mul3A_403 = arith.muli %add3A, %mul3A_402 : i32
        %dma_start3A_404 = tpu.memref_slice %arg4[%add3A_310, %mul3A_403] : memref<200x4096xi32, #tpu.memory_space<hbm>> -> memref<1x128xi32, #tpu.memory_space<hbm>>
        %dma_start3A_405 = tpu.memref_squeeze %dma_start3A_404 : memref<1x128xi32, #tpu.memory_space<hbm>> -> memref<128xi32, #tpu.memory_space<hbm>>
        %dma_start3A_406 = tpu.memref_slice %arg4[%add3A_310, %mul3A_403] : memref<200x4096xi32, #tpu.memory_space<hbm>> -> memref<1x128xi32, #tpu.memory_space<hbm>>
        %dma_start3A_407 = tpu.memref_squeeze %dma_start3A_406 : memref<1x128xi32, #tpu.memory_space<hbm>> -> memref<128xi32, #tpu.memory_space<hbm>>
        tpu.enqueue_dma source(%dma_start3A_407 : memref<128xi32, #tpu.memory_space<hbm>>) target(%arg8 : memref<128xi32, #tpu.memory_space<vmem>>) target_semaphore(%arg22 : memref<!tpu.dma_semaphore, #tpu.memory_space<semaphore_mem>>)
      } else {
      }
      %dma_wait3A_316 = arith.constant 0 : i32
      %dma_wait3A_317 = arith.constant 0 : i32
      %dma_wait3A_318 = tpu.memref_slice %arg2[%dma_wait3A_316, %dma_wait3A_317] : memref<1000000x32xf32, #tpu.memory_space<hbm>> -> memref<1000000x32xf32, #tpu.memory_space<hbm>>
      tpu.wait_indirect_dma semaphore(%arg27 : memref<!tpu.dma_semaphore, #tpu.memory_space<semaphore_mem>>) src(%dma_wait3A_318 : memref<1000000x32xf32, #tpu.memory_space<hbm>>) dst(%arg13 : memref<128x32xf32, #tpu.memory_space<vmem>>)
      %dma_wait3A_319 = arith.constant 0 : i32
      %dma_wait3A_320 = arith.constant 0 : i32
      %dma_wait3A_321 = tpu.memref_slice %arg3[%dma_wait3A_319, %dma_wait3A_320] : memref<1000000x32xf32, #tpu.memory_space<hbm>> -> memref<1000000x32xf32, #tpu.memory_space<hbm>>
      tpu.wait_indirect_dma semaphore(%arg27 : memref<!tpu.dma_semaphore, #tpu.memory_space<semaphore_mem>>) src(%dma_wait3A_321 : memref<1000000x32xf32, #tpu.memory_space<hbm>>) dst(%arg17 : memref<128x32xf32, #tpu.memory_space<vmem>>)
      %add3A_322 = arith.constant 3 : i32
      %add3A_323 = arith.addi %mul3A_170, %add3A_322 : i32
      %sub3A_324 = arith.constant 2 : i32
      %sub3A_325 = arith.subi %add3A_323, %sub3A_324 : i32
      %ge3A_326 = arith.constant 0 : i32
      %ge3A_327 = arith.cmpi sge, %sub3A_325, %ge3A_326 : i32
      %convert_element_type3A_328 = arith.extui %ge3A_327 : i1 to i32
      %cond3A_329 = arith.constant 0 : i32
      %cond3A_330 = arith.cmpi ne, %convert_element_type3A_328, %cond3A_329 : i32
      scf.if %cond3A_330 {
        %dma_wait3A_402 = arith.constant 0 : i32
        %dma_wait3A_403 = arith.constant 0 : i32
        %dma_wait3A_404 = arith.constant 0 : i32
        %dma_wait3A_405 = tpu.memref_slice %arg19[%dma_wait3A_402, %dma_wait3A_403, %dma_wait3A_404] : memref<8x8x129xf32, #tpu.memory_space<vmem>> -> memref<8x8x128xf32, #tpu.memory_space<vmem>>
        %dma_wait3A_406 = arith.constant 0 : i32
        %dma_wait3A_407 = arith.constant 0 : i32
        %dma_wait3A_408 = arith.constant 0 : i32
        %dma_wait3A_409 = tpu.memref_slice %arg5[%sub3A_325, %dma_wait3A_406, %add3A, %dma_wait3A_407, %dma_wait3A_408] : memref<200x8x32x8x128xf32, #tpu.memory_space<hbm>> -> memref<1x8x1x8x128xf32, #tpu.memory_space<hbm>>
        %dma_wait3A_410 = tpu.memref_squeeze %dma_wait3A_409 : memref<1x8x1x8x128xf32, #tpu.memory_space<hbm>> -> memref<8x8x128xf32, #tpu.memory_space<hbm>>
        %dma_wait3A_411 = arith.constant 0 : i32
        %dma_wait3A_412 = arith.constant 0 : i32
        %dma_wait3A_413 = arith.constant 0 : i32
        %dma_wait3A_414 = tpu.memref_slice %arg5[%sub3A_325, %dma_wait3A_411, %add3A, %dma_wait3A_412, %dma_wait3A_413] : memref<200x8x32x8x128xf32, #tpu.memory_space<hbm>> -> memref<1x8x1x8x128xf32, #tpu.memory_space<hbm>>
        %dma_wait3A_415 = tpu.memref_squeeze %dma_wait3A_414 : memref<1x8x1x8x128xf32, #tpu.memory_space<hbm>> -> memref<8x8x128xf32, #tpu.memory_space<hbm>>
        %dma_wait3A_416 = arith.constant 0 : i32
        %dma_wait3A_417 = arith.constant 0 : i32
        %dma_wait3A_418 = arith.constant 0 : i32
        %dma_wait3A_419 = tpu.memref_slice %arg19[%dma_wait3A_416, %dma_wait3A_417, %dma_wait3A_418] : memref<8x8x129xf32, #tpu.memory_space<vmem>> -> memref<8x8x128xf32, #tpu.memory_space<vmem>>
        tpu.wait_dma2 semaphore(%arg29 : memref<!tpu.dma_semaphore, #tpu.memory_space<semaphore_mem>>) src(%dma_wait3A_419 : memref<8x8x128xf32, #tpu.memory_space<vmem>>) dst(%dma_wait3A_415 : memref<8x8x128xf32, #tpu.memory_space<hbm>>)
      } else {
      }
      %scan3A_331 = arith.constant 0 : i32
      %scan3A_332 = arith.constant 0 : i32
      %scan3A_333 = arith.constant 32 : i32
      %scan3A_334 = arith.addi %scan3A_332, %scan3A_333 : i32
      %scan3A_335 = arith.constant 1 : i32
      scf.for %scan3A_402 = %scan3A_332 to %scan3A_334 step %scan3A_335  : i32 {
        %mul3A_403 = arith.constant 4 : i32
        %mul3A_404 = arith.muli %scan3A_402, %mul3A_403 : i32
        %add3A_405 = arith.constant 0 : i32
        %add3A_406 = arith.addi %mul3A_404, %add3A_405 : i32
        %broadcast_in_dim3A = vector.broadcast %add3A_406 : i32 to vector<16xi32>
        %add3A_407 = arith.constant 0 : i32
        %add3A_408 = arith.addi %mul3A_404, %add3A_407 : i32
        %get3A = arith.index_cast %add3A_408 : i32 to index
        %get3A_409 = arith.constant 0 : index
        %get3A_410 = tpu.vector_load %arg13[%get3A, %get3A_409] {strides = array<i32>} : memref<128x32xf32, #tpu.memory_space<vmem>>, vector<16xf32>,
        %add3A_411 = arith.constant 0 : i32
        %add3A_412 = arith.addi %mul3A_404, %add3A_411 : i32
        %get3A_413 = arith.index_cast %add3A_412 : i32 to index
        %get3A_414 = arith.constant 16 : index
        %get3A_415 = tpu.vector_load %arg13[%get3A_413, %get3A_414] {strides = array<i32>} : memref<128x32xf32, #tpu.memory_space<vmem>>, vector<16xf32>,
        %add3A_416 = arith.constant 0 : i32
        %add3A_417 = arith.addi %mul3A_404, %add3A_416 : i32
        %get3A_418 = arith.index_cast %add3A_417 : i32 to index
        %get3A_419 = arith.constant 0 : index
        %get3A_420 = tpu.vector_load %arg17[%get3A_418, %get3A_419] {strides = array<i32>} : memref<128x32xf32, #tpu.memory_space<vmem>>, vector<16xf32>,
        %add3A_421 = arith.constant 0 : i32
        %add3A_422 = arith.addi %mul3A_404, %add3A_421 : i32
        %get3A_423 = arith.index_cast %add3A_422 : i32 to index
        %get3A_424 = arith.constant 16 : index
        %get3A_425 = tpu.vector_load %arg17[%get3A_423, %get3A_424] {strides = array<i32>} : memref<128x32xf32, #tpu.memory_space<vmem>>, vector<16xf32>,
        tpu.vector_store_idx %arg19[%shift_right_arithmetic3A_5, %and3A_28, %broadcast_in_dim3A], %get3A_410 : memref<8x8x129xf32, #tpu.memory_space<vmem>>[vector<16xi32>, vector<16xi32>, vector<16xi32>], vector<16xf32>,
        tpu.vector_store_idx %arg19[%shift_right_arithmetic3A_11, %and3A_34, %broadcast_in_dim3A], %get3A_415 : memref<8x8x129xf32, #tpu.memory_space<vmem>>[vector<16xi32>, vector<16xi32>, vector<16xi32>], vector<16xf32>,
        tpu.vector_store_idx %arg19[%shift_right_arithmetic3A_17, %and3A_40, %broadcast_in_dim3A], %get3A_420 : memref<8x8x129xf32, #tpu.memory_space<vmem>>[vector<16xi32>, vector<16xi32>, vector<16xi32>], vector<16xf32>,
        tpu.vector_store_idx %arg19[%shift_right_arithmetic3A_23, %and3A_46, %broadcast_in_dim3A], %get3A_425 : memref<8x8x129xf32, #tpu.memory_space<vmem>>[vector<16xi32>, vector<16xi32>, vector<16xi32>], vector<16xf32>,
        %add3A_426 = arith.constant 1 : i32
        %add3A_427 = arith.addi %mul3A_404, %add3A_426 : i32
        %broadcast_in_dim3A_428 = vector.broadcast %add3A_427 : i32 to vector<16xi32>
        %add3A_429 = arith.constant 1 : i32
        %add3A_430 = arith.addi %mul3A_404, %add3A_429 : i32
        %get3A_431 = arith.index_cast %add3A_430 : i32 to index
        %get3A_432 = arith.constant 0 : index
        %get3A_433 = tpu.vector_load %arg13[%get3A_431, %get3A_432] {strides = array<i32>} : memref<128x32xf32, #tpu.memory_space<vmem>>, vector<16xf32>,
        %add3A_434 = arith.constant 1 : i32
        %add3A_435 = arith.addi %mul3A_404, %add3A_434 : i32
        %get3A_436 = arith.index_cast %add3A_435 : i32 to index
        %get3A_437 = arith.constant 16 : index
        %get3A_438 = tpu.vector_load %arg13[%get3A_436, %get3A_437] {strides = array<i32>} : memref<128x32xf32, #tpu.memory_space<vmem>>, vector<16xf32>,
        %add3A_439 = arith.constant 1 : i32
        %add3A_440 = arith.addi %mul3A_404, %add3A_439 : i32
        %get3A_441 = arith.index_cast %add3A_440 : i32 to index
        %get3A_442 = arith.constant 0 : index
        %get3A_443 = tpu.vector_load %arg17[%get3A_441, %get3A_442] {strides = array<i32>} : memref<128x32xf32, #tpu.memory_space<vmem>>, vector<16xf32>,
        %add3A_444 = arith.constant 1 : i32
        %add3A_445 = arith.addi %mul3A_404, %add3A_444 : i32
        %get3A_446 = arith.index_cast %add3A_445 : i32 to index
        %get3A_447 = arith.constant 16 : index
        %get3A_448 = tpu.vector_load %arg17[%get3A_446, %get3A_447] {strides = array<i32>} : memref<128x32xf32, #tpu.memory_space<vmem>>, vector<16xf32>,
        tpu.vector_store_idx %arg19[%shift_right_arithmetic3A_5, %and3A_28, %broadcast_in_dim3A_428], %get3A_433 : memref<8x8x129xf32, #tpu.memory_space<vmem>>[vector<16xi32>, vector<16xi32>, vector<16xi32>], vector<16xf32>,
        tpu.vector_store_idx %arg19[%shift_right_arithmetic3A_11, %and3A_34, %broadcast_in_dim3A_428], %get3A_438 : memref<8x8x129xf32, #tpu.memory_space<vmem>>[vector<16xi32>, vector<16xi32>, vector<16xi32>], vector<16xf32>,
        tpu.vector_store_idx %arg19[%shift_right_arithmetic3A_17, %and3A_40, %broadcast_in_dim3A_428], %get3A_443 : memref<8x8x129xf32, #tpu.memory_space<vmem>>[vector<16xi32>, vector<16xi32>, vector<16xi32>], vector<16xf32>,
        tpu.vector_store_idx %arg19[%shift_right_arithmetic3A_23, %and3A_46, %broadcast_in_dim3A_428], %get3A_448 : memref<8x8x129xf32, #tpu.memory_space<vmem>>[vector<16xi32>, vector<16xi32>, vector<16xi32>], vector<16xf32>,
        %add3A_449 = arith.constant 2 : i32
        %add3A_450 = arith.addi %mul3A_404, %add3A_449 : i32
        %broadcast_in_dim3A_451 = vector.broadcast %add3A_450 : i32 to vector<16xi32>
        %add3A_452 = arith.constant 2 : i32
        %add3A_453 = arith.addi %mul3A_404, %add3A_452 : i32
        %get3A_454 = arith.index_cast %add3A_453 : i32 to index
        %get3A_455 = arith.constant 0 : index
        %get3A_456 = tpu.vector_load %arg13[%get3A_454, %get3A_455] {strides = array<i32>} : memref<128x32xf32, #tpu.memory_space<vmem>>, vector<16xf32>,
        %add3A_457 = arith.constant 2 : i32
        %add3A_458 = arith.addi %mul3A_404, %add3A_457 : i32
        %get3A_459 = arith.index_cast %add3A_458 : i32 to index
        %get3A_460 = arith.constant 16 : index
        %get3A_461 = tpu.vector_load %arg13[%get3A_459, %get3A_460] {strides = array<i32>} : memref<128x32xf32, #tpu.memory_space<vmem>>, vector<16xf32>,
        %add3A_462 = arith.constant 2 : i32
        %add3A_463 = arith.addi %mul3A_404, %add3A_462 : i32
        %get3A_464 = arith.index_cast %add3A_463 : i32 to index
        %get3A_465 = arith.constant 0 : index
        %get3A_466 = tpu.vector_load %arg17[%get3A_464, %get3A_465] {strides = array<i32>} : memref<128x32xf32, #tpu.memory_space<vmem>>, vector<16xf32>,
        %add3A_467 = arith.constant 2 : i32
        %add3A_468 = arith.addi %mul3A_404, %add3A_467 : i32
        %get3A_469 = arith.index_cast %add3A_468 : i32 to index
        %get3A_470 = arith.constant 16 : index
        %get3A_471 = tpu.vector_load %arg17[%get3A_469, %get3A_470] {strides = array<i32>} : memref<128x32xf32, #tpu.memory_space<vmem>>, vector<16xf32>,
        tpu.vector_store_idx %arg19[%shift_right_arithmetic3A_5, %and3A_28, %broadcast_in_dim3A_451], %get3A_456 : memref<8x8x129xf32, #tpu.memory_space<vmem>>[vector<16xi32>, vector<16xi32>, vector<16xi32>], vector<16xf32>,
        tpu.vector_store_idx %arg19[%shift_right_arithmetic3A_11, %and3A_34, %broadcast_in_dim3A_451], %get3A_461 : memref<8x8x129xf32, #tpu.memory_space<vmem>>[vector<16xi32>, vector<16xi32>, vector<16xi32>], vector<16xf32>,
        tpu.vector_store_idx %arg19[%shift_right_arithmetic3A_17, %and3A_40, %broadcast_in_dim3A_451], %get3A_466 : memref<8x8x129xf32, #tpu.memory_space<vmem>>[vector<16xi32>, vector<16xi32>, vector<16xi32>], vector<16xf32>,
        tpu.vector_store_idx %arg19[%shift_right_arithmetic3A_23, %and3A_46, %broadcast_in_dim3A_451], %get3A_471 : memref<8x8x129xf32, #tpu.memory_space<vmem>>[vector<16xi32>, vector<16xi32>, vector<16xi32>], vector<16xf32>,
        %add3A_472 = arith.constant 3 : i32
        %add3A_473 = arith.addi %mul3A_404, %add3A_472 : i32
        %broadcast_in_dim3A_474 = vector.broadcast %add3A_473 : i32 to vector<16xi32>
        %add3A_475 = arith.constant 3 : i32
        %add3A_476 = arith.addi %mul3A_404, %add3A_475 : i32
        %get3A_477 = arith.index_cast %add3A_476 : i32 to index
        %get3A_478 = arith.constant 0 : index
        %get3A_479 = tpu.vector_load %arg13[%get3A_477, %get3A_478] {strides = array<i32>} : memref<128x32xf32, #tpu.memory_space<vmem>>, vector<16xf32>,
        %add3A_480 = arith.constant 3 : i32
        %add3A_481 = arith.addi %mul3A_404, %add3A_480 : i32
        %get3A_482 = arith.index_cast %add3A_481 : i32 to index
        %get3A_483 = arith.constant 16 : index
        %get3A_484 = tpu.vector_load %arg13[%get3A_482, %get3A_483] {strides = array<i32>} : memref<128x32xf32, #tpu.memory_space<vmem>>, vector<16xf32>,
        %add3A_485 = arith.constant 3 : i32
        %add3A_486 = arith.addi %mul3A_404, %add3A_485 : i32
        %get3A_487 = arith.index_cast %add3A_486 : i32 to index
        %get3A_488 = arith.constant 0 : index
        %get3A_489 = tpu.vector_load %arg17[%get3A_487, %get3A_488] {strides = array<i32>} : memref<128x32xf32, #tpu.memory_space<vmem>>, vector<16xf32>,
        %add3A_490 = arith.constant 3 : i32
        %add3A_491 = arith.addi %mul3A_404, %add3A_490 : i32
        %get3A_492 = arith.index_cast %add3A_491 : i32 to index
        %get3A_493 = arith.constant 16 : index
        %get3A_494 = tpu.vector_load %arg17[%get3A_492, %get3A_493] {strides = array<i32>} : memref<128x32xf32, #tpu.memory_space<vmem>>, vector<16xf32>,
        tpu.vector_store_idx %arg19[%shift_right_arithmetic3A_5, %and3A_28, %broadcast_in_dim3A_474], %get3A_479 : memref<8x8x129xf32, #tpu.memory_space<vmem>>[vector<16xi32>, vector<16xi32>, vector<16xi32>], vector<16xf32>,
        tpu.vector_store_idx %arg19[%shift_right_arithmetic3A_11, %and3A_34, %broadcast_in_dim3A_474], %get3A_484 : memref<8x8x129xf32, #tpu.memory_space<vmem>>[vector<16xi32>, vector<16xi32>, vector<16xi32>], vector<16xf32>,
        tpu.vector_store_idx %arg19[%shift_right_arithmetic3A_17, %and3A_40, %broadcast_in_dim3A_474], %get3A_489 : memref<8x8x129xf32, #tpu.memory_space<vmem>>[vector<16xi32>, vector<16xi32>, vector<16xi32>], vector<16xf32>,
        tpu.vector_store_idx %arg19[%shift_right_arithmetic3A_23, %and3A_46, %broadcast_in_dim3A_474], %get3A_494 : memref<8x8x129xf32, #tpu.memory_space<vmem>>[vector<16xi32>, vector<16xi32>, vector<16xi32>], vector<16xf32>,
      }
      %scan3A_336 = arith.constant 32 : i32
      %add3A_337 = arith.constant 3 : i32
      %add3A_338 = arith.addi %mul3A_170, %add3A_337 : i32
      %dma_start3A_339 = arith.constant 0 : i32
      %dma_start3A_340 = arith.constant 0 : i32
      %dma_start3A_341 = arith.constant 0 : i32
      %dma_start3A_342 = tpu.memref_slice %arg19[%dma_start3A_339, %dma_start3A_340, %dma_start3A_341] : memref<8x8x129xf32, #tpu.memory_space<vmem>> -> memref<8x8x128xf32, #tpu.memory_space<vmem>>
      %dma_start3A_343 = arith.constant 0 : i32
      %dma_start3A_344 = arith.constant 0 : i32
      %dma_start3A_345 = arith.constant 0 : i32
      %dma_start3A_346 = tpu.memref_slice %arg5[%add3A_338, %dma_start3A_343, %add3A, %dma_start3A_344, %dma_start3A_345] : memref<200x8x32x8x128xf32, #tpu.memory_space<hbm>> -> memref<1x8x1x8x128xf32, #tpu.memory_space<hbm>>
      %dma_start3A_347 = tpu.memref_squeeze %dma_start3A_346 : memref<1x8x1x8x128xf32, #tpu.memory_space<hbm>> -> memref<8x8x128xf32, #tpu.memory_space<hbm>>
      %dma_start3A_348 = arith.constant 0 : i32
      %dma_start3A_349 = arith.constant 0 : i32
      %dma_start3A_350 = arith.constant 0 : i32
      %dma_start3A_351 = tpu.memref_slice %arg5[%add3A_338, %dma_start3A_348, %add3A, %dma_start3A_349, %dma_start3A_350] : memref<200x8x32x8x128xf32, #tpu.memory_space<hbm>> -> memref<1x8x1x8x128xf32, #tpu.memory_space<hbm>>
      %dma_start3A_352 = tpu.memref_squeeze %dma_start3A_351 : memref<1x8x1x8x128xf32, #tpu.memory_space<hbm>> -> memref<8x8x128xf32, #tpu.memory_space<hbm>>
      %dma_start3A_353 = arith.constant 0 : i32
      %dma_start3A_354 = arith.constant 0 : i32
      %dma_start3A_355 = arith.constant 0 : i32
      %dma_start3A_356 = tpu.memref_slice %arg19[%dma_start3A_353, %dma_start3A_354, %dma_start3A_355] : memref<8x8x129xf32, #tpu.memory_space<vmem>> -> memref<8x8x128xf32, #tpu.memory_space<vmem>>
      tpu.enqueue_dma source(%dma_start3A_356 : memref<8x8x128xf32, #tpu.memory_space<vmem>>) target(%dma_start3A_352 : memref<8x8x128xf32, #tpu.memory_space<hbm>>) target_semaphore(%arg29 : memref<!tpu.dma_semaphore, #tpu.memory_space<semaphore_mem>>)
      %add3A_357 = arith.constant 4 : i32
      %add3A_358 = arith.addi %mul3A_170, %add3A_357 : i32
      %add3A_359 = arith.constant 3 : i32
      %add3A_360 = arith.addi %add3A_358, %add3A_359 : i32
      %lt3A_361 = arith.constant 200 : i32
      %lt3A_362 = arith.cmpi slt, %add3A_360, %lt3A_361 : i32
      %convert_element_type3A_363 = arith.extui %lt3A_362 : i1 to i32
      %cond3A_364 = arith.constant 0 : i32
      %cond3A_365 = arith.cmpi ne, %convert_element_type3A_363, %cond3A_364 : i32
      scf.if %cond3A_365 {
        %mul3A_402 = arith.constant 128 : i32
        %mul3A_403 = arith.muli %add3A, %mul3A_402 : i32
        %dma_start3A_404 = tpu.memref_slice %arg4[%add3A_360, %mul3A_403] : memref<200x4096xi32, #tpu.memory_space<hbm>> -> memref<1x128xi32, #tpu.memory_space<hbm>>
        %dma_start3A_405 = tpu.memref_squeeze %dma_start3A_404 : memref<1x128xi32, #tpu.memory_space<hbm>> -> memref<128xi32, #tpu.memory_space<hbm>>
        %dma_start3A_406 = tpu.memref_slice %arg4[%add3A_360, %mul3A_403] : memref<200x4096xi32, #tpu.memory_space<hbm>> -> memref<1x128xi32, #tpu.memory_space<hbm>>
        %dma_start3A_407 = tpu.memref_squeeze %dma_start3A_406 : memref<1x128xi32, #tpu.memory_space<hbm>> -> memref<128xi32, #tpu.memory_space<hbm>>
        tpu.enqueue_dma source(%dma_start3A_407 : memref<128xi32, #tpu.memory_space<hbm>>) target(%arg9 : memref<128xi32, #tpu.memory_space<vmem>>) target_semaphore(%arg23 : memref<!tpu.dma_semaphore, #tpu.memory_space<semaphore_mem>>)
      } else {
      }
      %add3A_366 = arith.constant 4 : i32
      %add3A_367 = arith.addi %mul3A_170, %add3A_366 : i32
      %add3A_368 = arith.constant 0 : i32
      %add3A_369 = arith.addi %add3A_367, %add3A_368 : i32
      %lt3A_370 = arith.constant 200 : i32
      %lt3A_371 = arith.cmpi slt, %add3A_369, %lt3A_370 : i32
      %convert_element_type3A_372 = arith.extui %lt3A_371 : i1 to i32
      %cond3A_373 = arith.constant 0 : i32
      %cond3A_374 = arith.cmpi ne, %convert_element_type3A_372, %cond3A_373 : i32
      scf.if %cond3A_374 {
        %mul3A_402 = arith.constant 128 : i32
        %mul3A_403 = arith.muli %add3A, %mul3A_402 : i32
        %dma_wait3A_404 = tpu.memref_slice %arg4[%add3A_369, %mul3A_403] : memref<200x4096xi32, #tpu.memory_space<hbm>> -> memref<1x128xi32, #tpu.memory_space<hbm>>
        %dma_wait3A_405 = tpu.memref_squeeze %dma_wait3A_404 : memref<1x128xi32, #tpu.memory_space<hbm>> -> memref<128xi32, #tpu.memory_space<hbm>>
        %dma_wait3A_406 = tpu.memref_slice %arg4[%add3A_369, %mul3A_403] : memref<200x4096xi32, #tpu.memory_space<hbm>> -> memref<1x128xi32, #tpu.memory_space<hbm>>
        %dma_wait3A_407 = tpu.memref_squeeze %dma_wait3A_406 : memref<1x128xi32, #tpu.memory_space<hbm>> -> memref<128xi32, #tpu.memory_space<hbm>>
        tpu.wait_dma2 semaphore(%arg20 : memref<!tpu.dma_semaphore, #tpu.memory_space<semaphore_mem>>) src(%dma_wait3A_407 : memref<128xi32, #tpu.memory_space<hbm>>) dst(%arg6 : memref<128xi32, #tpu.memory_space<vmem>>)
        %dma_start3A_408 = arith.constant 0 : i32
        %dma_start3A_409 = arith.constant 0 : i32
        %dma_start3A_410 = tpu.memref_slice %arg2[%dma_start3A_408, %dma_start3A_409] : memref<1000000x32xf32, #tpu.memory_space<hbm>> -> memref<1000000x32xf32, #tpu.memory_space<hbm>>
        tpu.enqueue_indirect_dma source(%dma_start3A_410 : memref<1000000x32xf32, #tpu.memory_space<hbm>>) target(%arg10 : memref<128x32xf32, #tpu.memory_space<vmem>>) offsets(%arg6 : memref<128xi32, #tpu.memory_space<vmem>>) semaphore(%arg24 : memref<!tpu.dma_semaphore, #tpu.memory_space<semaphore_mem>>)
        %dma_start3A_411 = arith.constant 0 : i32
        %dma_start3A_412 = arith.constant 0 : i32
        %dma_start3A_413 = tpu.memref_slice %arg3[%dma_start3A_411, %dma_start3A_412] : memref<1000000x32xf32, #tpu.memory_space<hbm>> -> memref<1000000x32xf32, #tpu.memory_space<hbm>>
        tpu.enqueue_indirect_dma source(%dma_start3A_413 : memref<1000000x32xf32, #tpu.memory_space<hbm>>) target(%arg14 : memref<128x32xf32, #tpu.memory_space<vmem>>) offsets(%arg6 : memref<128xi32, #tpu.memory_space<vmem>>) semaphore(%arg24 : memref<!tpu.dma_semaphore, #tpu.memory_space<semaphore_mem>>)
      } else {
      }
      %add3A_375 = arith.constant 4 : i32
      %add3A_376 = arith.addi %mul3A_170, %add3A_375 : i32
      %add3A_377 = arith.constant 1 : i32
      %add3A_378 = arith.addi %add3A_376, %add3A_377 : i32
      %lt3A_379 = arith.constant 200 : i32
      %lt3A_380 = arith.cmpi slt, %add3A_378, %lt3A_379 : i32
      %convert_element_type3A_381 = arith.extui %lt3A_380 : i1 to i32
      %cond3A_382 = arith.constant 0 : i32
      %cond3A_383 = arith.cmpi ne, %convert_element_type3A_381, %cond3A_382 : i32
      scf.if %cond3A_383 {
        %mul3A_402 = arith.constant 128 : i32
        %mul3A_403 = arith.muli %add3A, %mul3A_402 : i32
        %dma_wait3A_404 = tpu.memref_slice %arg4[%add3A_378, %mul3A_403] : memref<200x4096xi32, #tpu.memory_space<hbm>> -> memref<1x128xi32, #tpu.memory_space<hbm>>
        %dma_wait3A_405 = tpu.memref_squeeze %dma_wait3A_404 : memref<1x128xi32, #tpu.memory_space<hbm>> -> memref<128xi32, #tpu.memory_space<hbm>>
        %dma_wait3A_406 = tpu.memref_slice %arg4[%add3A_378, %mul3A_403] : memref<200x4096xi32, #tpu.memory_space<hbm>> -> memref<1x128xi32, #tpu.memory_space<hbm>>
        %dma_wait3A_407 = tpu.memref_squeeze %dma_wait3A_406 : memref<1x128xi32, #tpu.memory_space<hbm>> -> memref<128xi32, #tpu.memory_space<hbm>>
        tpu.wait_dma2 semaphore(%arg21 : memref<!tpu.dma_semaphore, #tpu.memory_space<semaphore_mem>>) src(%dma_wait3A_407 : memref<128xi32, #tpu.memory_space<hbm>>) dst(%arg7 : memref<128xi32, #tpu.memory_space<vmem>>)
        %dma_start3A_408 = arith.constant 0 : i32
        %dma_start3A_409 = arith.constant 0 : i32
        %dma_start3A_410 = tpu.memref_slice %arg2[%dma_start3A_408, %dma_start3A_409] : memref<1000000x32xf32, #tpu.memory_space<hbm>> -> memref<1000000x32xf32, #tpu.memory_space<hbm>>
        tpu.enqueue_indirect_dma source(%dma_start3A_410 : memref<1000000x32xf32, #tpu.memory_space<hbm>>) target(%arg11 : memref<128x32xf32, #tpu.memory_space<vmem>>) offsets(%arg7 : memref<128xi32, #tpu.memory_space<vmem>>) semaphore(%arg25 : memref<!tpu.dma_semaphore, #tpu.memory_space<semaphore_mem>>)
        %dma_start3A_411 = arith.constant 0 : i32
        %dma_start3A_412 = arith.constant 0 : i32
        %dma_start3A_413 = tpu.memref_slice %arg3[%dma_start3A_411, %dma_start3A_412] : memref<1000000x32xf32, #tpu.memory_space<hbm>> -> memref<1000000x32xf32, #tpu.memory_space<hbm>>
        tpu.enqueue_indirect_dma source(%dma_start3A_413 : memref<1000000x32xf32, #tpu.memory_space<hbm>>) target(%arg15 : memref<128x32xf32, #tpu.memory_space<vmem>>) offsets(%arg7 : memref<128xi32, #tpu.memory_space<vmem>>) semaphore(%arg25 : memref<!tpu.dma_semaphore, #tpu.memory_space<semaphore_mem>>)
      } else {
      }
      %add3A_384 = arith.constant 4 : i32
      %add3A_385 = arith.addi %mul3A_170, %add3A_384 : i32
      %add3A_386 = arith.constant 2 : i32
      %add3A_387 = arith.addi %add3A_385, %add3A_386 : i32
      %lt3A_388 = arith.constant 200 : i32
      %lt3A_389 = arith.cmpi slt, %add3A_387, %lt3A_388 : i32
      %convert_element_type3A_390 = arith.extui %lt3A_389 : i1 to i32
      %cond3A_391 = arith.constant 0 : i32
      %cond3A_392 = arith.cmpi ne, %convert_element_type3A_390, %cond3A_391 : i32
      scf.if %cond3A_392 {
        %mul3A_402 = arith.constant 128 : i32
        %mul3A_403 = arith.muli %add3A, %mul3A_402 : i32
        %dma_wait3A_404 = tpu.memref_slice %arg4[%add3A_387, %mul3A_403] : memref<200x4096xi32, #tpu.memory_space<hbm>> -> memref<1x128xi32, #tpu.memory_space<hbm>>
        %dma_wait3A_405 = tpu.memref_squeeze %dma_wait3A_404 : memref<1x128xi32, #tpu.memory_space<hbm>> -> memref<128xi32, #tpu.memory_space<hbm>>
        %dma_wait3A_406 = tpu.memref_slice %arg4[%add3A_387, %mul3A_403] : memref<200x4096xi32, #tpu.memory_space<hbm>> -> memref<1x128xi32, #tpu.memory_space<hbm>>
        %dma_wait3A_407 = tpu.memref_squeeze %dma_wait3A_406 : memref<1x128xi32, #tpu.memory_space<hbm>> -> memref<128xi32, #tpu.memory_space<hbm>>
        tpu.wait_dma2 semaphore(%arg22 : memref<!tpu.dma_semaphore, #tpu.memory_space<semaphore_mem>>) src(%dma_wait3A_407 : memref<128xi32, #tpu.memory_space<hbm>>) dst(%arg8 : memref<128xi32, #tpu.memory_space<vmem>>)
        %dma_start3A_408 = arith.constant 0 : i32
        %dma_start3A_409 = arith.constant 0 : i32
        %dma_start3A_410 = tpu.memref_slice %arg2[%dma_start3A_408, %dma_start3A_409] : memref<1000000x32xf32, #tpu.memory_space<hbm>> -> memref<1000000x32xf32, #tpu.memory_space<hbm>>
        tpu.enqueue_indirect_dma source(%dma_start3A_410 : memref<1000000x32xf32, #tpu.memory_space<hbm>>) target(%arg12 : memref<128x32xf32, #tpu.memory_space<vmem>>) offsets(%arg8 : memref<128xi32, #tpu.memory_space<vmem>>) semaphore(%arg26 : memref<!tpu.dma_semaphore, #tpu.memory_space<semaphore_mem>>)
        %dma_start3A_411 = arith.constant 0 : i32
        %dma_start3A_412 = arith.constant 0 : i32
        %dma_start3A_413 = tpu.memref_slice %arg3[%dma_start3A_411, %dma_start3A_412] : memref<1000000x32xf32, #tpu.memory_space<hbm>> -> memref<1000000x32xf32, #tpu.memory_space<hbm>>
        tpu.enqueue_indirect_dma source(%dma_start3A_413 : memref<1000000x32xf32, #tpu.memory_space<hbm>>) target(%arg16 : memref<128x32xf32, #tpu.memory_space<vmem>>) offsets(%arg8 : memref<128xi32, #tpu.memory_space<vmem>>) semaphore(%arg26 : memref<!tpu.dma_semaphore, #tpu.memory_space<semaphore_mem>>)
      } else {
      }
      %add3A_393 = arith.constant 4 : i32
      %add3A_394 = arith.addi %mul3A_170, %add3A_393 : i32
      %add3A_395 = arith.constant 3 : i32
      %add3A_396 = arith.addi %add3A_394, %add3A_395 : i32
      %lt3A_397 = arith.constant 200 : i32
      %lt3A_398 = arith.cmpi slt, %add3A_396, %lt3A_397 : i32
      %convert_element_type3A_399 = arith.extui %lt3A_398 : i1 to i32
      %cond3A_400 = arith.constant 0 : i32
      %cond3A_401 = arith.cmpi ne, %convert_element_type3A_399, %cond3A_400 : i32
      scf.if %cond3A_401 {
        %mul3A_402 = arith.constant 128 : i32
        %mul3A_403 = arith.muli %add3A, %mul3A_402 : i32
        %dma_wait3A_404 = tpu.memref_slice %arg4[%add3A_396, %mul3A_403] : memref<200x4096xi32, #tpu.memory_space<hbm>> -> memref<1x128xi32, #tpu.memory_space<hbm>>
        %dma_wait3A_405 = tpu.memref_squeeze %dma_wait3A_404 : memref<1x128xi32, #tpu.memory_space<hbm>> -> memref<128xi32, #tpu.memory_space<hbm>>
        %dma_wait3A_406 = tpu.memref_slice %arg4[%add3A_396, %mul3A_403] : memref<200x4096xi32, #tpu.memory_space<hbm>> -> memref<1x128xi32, #tpu.memory_space<hbm>>
        %dma_wait3A_407 = tpu.memref_squeeze %dma_wait3A_406 : memref<1x128xi32, #tpu.memory_space<hbm>> -> memref<128xi32, #tpu.memory_space<hbm>>
        tpu.wait_dma2 semaphore(%arg23 : memref<!tpu.dma_semaphore, #tpu.memory_space<semaphore_mem>>) src(%dma_wait3A_407 : memref<128xi32, #tpu.memory_space<hbm>>) dst(%arg9 : memref<128xi32, #tpu.memory_space<vmem>>)
        %dma_start3A_408 = arith.constant 0 : i32
        %dma_start3A_409 = arith.constant 0 : i32
        %dma_start3A_410 = tpu.memref_slice %arg2[%dma_start3A_408, %dma_start3A_409] : memref<1000000x32xf32, #tpu.memory_space<hbm>> -> memref<1000000x32xf32, #tpu.memory_space<hbm>>
        tpu.enqueue_indirect_dma source(%dma_start3A_410 : memref<1000000x32xf32, #tpu.memory_space<hbm>>) target(%arg13 : memref<128x32xf32, #tpu.memory_space<vmem>>) offsets(%arg9 : memref<128xi32, #tpu.memory_space<vmem>>) semaphore(%arg27 : memref<!tpu.dma_semaphore, #tpu.memory_space<semaphore_mem>>)
        %dma_start3A_411 = arith.constant 0 : i32
        %dma_start3A_412 = arith.constant 0 : i32
        %dma_start3A_413 = tpu.memref_slice %arg3[%dma_start3A_411, %dma_start3A_412] : memref<1000000x32xf32, #tpu.memory_space<hbm>> -> memref<1000000x32xf32, #tpu.memory_space<hbm>>
        tpu.enqueue_indirect_dma source(%dma_start3A_413 : memref<1000000x32xf32, #tpu.memory_space<hbm>>) target(%arg17 : memref<128x32xf32, #tpu.memory_space<vmem>>) offsets(%arg9 : memref<128xi32, #tpu.memory_space<vmem>>) semaphore(%arg27 : memref<!tpu.dma_semaphore, #tpu.memory_space<semaphore_mem>>)
      } else {
      }
    }
    %scan3A_129 = arith.constant 50 : i32
    %dma_wait3A_130 = arith.constant 198 : i32
    %dma_wait3A_131 = arith.constant 0 : i32
    %dma_wait3A_132 = arith.constant 0 : i32
    %dma_wait3A_133 = arith.constant 0 : i32
    %dma_wait3A_134 = tpu.memref_slice %arg18[%dma_wait3A_131, %dma_wait3A_132, %dma_wait3A_133] : memref<8x8x129xf32, #tpu.memory_space<vmem>> -> memref<8x8x128xf32, #tpu.memory_space<vmem>>
    %dma_wait3A_135 = arith.constant 0 : i32
    %dma_wait3A_136 = arith.constant 0 : i32
    %dma_wait3A_137 = arith.constant 0 : i32
    %dma_wait3A_138 = tpu.memref_slice %arg5[%dma_wait3A_130, %dma_wait3A_135, %add3A, %dma_wait3A_136, %dma_wait3A_137] : memref<200x8x32x8x128xf32, #tpu.memory_space<hbm>> -> memref<1x8x1x8x128xf32, #tpu.memory_space<hbm>>
    %dma_wait3A_139 = tpu.memref_squeeze %dma_wait3A_138 : memref<1x8x1x8x128xf32, #tpu.memory_space<hbm>> -> memref<8x8x128xf32, #tpu.memory_space<hbm>>
    %dma_wait3A_140 = arith.constant 0 : i32
    %dma_wait3A_141 = arith.constant 0 : i32
    %dma_wait3A_142 = arith.constant 0 : i32
    %dma_wait3A_143 = tpu.memref_slice %arg5[%dma_wait3A_130, %dma_wait3A_140, %add3A, %dma_wait3A_141, %dma_wait3A_142] : memref<200x8x32x8x128xf32, #tpu.memory_space<hbm>> -> memref<1x8x1x8x128xf32, #tpu.memory_space<hbm>>
    %dma_wait3A_144 = tpu.memref_squeeze %dma_wait3A_143 : memref<1x8x1x8x128xf32, #tpu.memory_space<hbm>> -> memref<8x8x128xf32, #tpu.memory_space<hbm>>
    %dma_wait3A_145 = arith.constant 0 : i32
    %dma_wait3A_146 = arith.constant 0 : i32
    %dma_wait3A_147 = arith.constant 0 : i32
    %dma_wait3A_148 = tpu.memref_slice %arg18[%dma_wait3A_145, %dma_wait3A_146, %dma_wait3A_147] : memref<8x8x129xf32, #tpu.memory_space<vmem>> -> memref<8x8x128xf32, #tpu.memory_space<vmem>>
    tpu.wait_dma2 semaphore(%arg28 : memref<!tpu.dma_semaphore, #tpu.memory_space<semaphore_mem>>) src(%dma_wait3A_148 : memref<8x8x128xf32, #tpu.memory_space<vmem>>) dst(%dma_wait3A_144 : memref<8x8x128xf32, #tpu.memory_space<hbm>>)
    %dma_wait3A_149 = arith.constant 199 : i32
    %dma_wait3A_150 = arith.constant 0 : i32
    %dma_wait3A_151 = arith.constant 0 : i32
    %dma_wait3A_152 = arith.constant 0 : i32
    %dma_wait3A_153 = tpu.memref_slice %arg19[%dma_wait3A_150, %dma_wait3A_151, %dma_wait3A_152] : memref<8x8x129xf32, #tpu.memory_space<vmem>> -> memref<8x8x128xf32, #tpu.memory_space<vmem>>
    %dma_wait3A_154 = arith.constant 0 : i32
    %dma_wait3A_155 = arith.constant 0 : i32
    %dma_wait3A_156 = arith.constant 0 : i32
    %dma_wait3A_157 = tpu.memref_slice %arg5[%dma_wait3A_149, %dma_wait3A_154, %add3A, %dma_wait3A_155, %dma_wait3A_156] : memref<200x8x32x8x128xf32, #tpu.memory_space<hbm>> -> memref<1x8x1x8x128xf32, #tpu.memory_space<hbm>>
    %dma_wait3A_158 = tpu.memref_squeeze %dma_wait3A_157 : memref<1x8x1x8x128xf32, #tpu.memory_space<hbm>> -> memref<8x8x128xf32, #tpu.memory_space<hbm>>
    %dma_wait3A_159 = arith.constant 0 : i32
    %dma_wait3A_160 = arith.constant 0 : i32
    %dma_wait3A_161 = arith.constant 0 : i32
    %dma_wait3A_162 = tpu.memref_slice %arg5[%dma_wait3A_149, %dma_wait3A_159, %add3A, %dma_wait3A_160, %dma_wait3A_161] : memref<200x8x32x8x128xf32, #tpu.memory_space<hbm>> -> memref<1x8x1x8x128xf32, #tpu.memory_space<hbm>>
    %dma_wait3A_163 = tpu.memref_squeeze %dma_wait3A_162 : memref<1x8x1x8x128xf32, #tpu.memory_space<hbm>> -> memref<8x8x128xf32, #tpu.memory_space<hbm>>
    %dma_wait3A_164 = arith.constant 0 : i32
    %dma_wait3A_165 = arith.constant 0 : i32
    %dma_wait3A_166 = arith.constant 0 : i32
    %dma_wait3A_167 = tpu.memref_slice %arg19[%dma_wait3A_164, %dma_wait3A_165, %dma_wait3A_166] : memref<8x8x129xf32, #tpu.memory_space<vmem>> -> memref<8x8x128xf32, #tpu.memory_space<vmem>>
    tpu.wait_dma2 semaphore(%arg29 : memref<!tpu.dma_semaphore, #tpu.memory_space<semaphore_mem>>) src(%dma_wait3A_167 : memref<8x8x128xf32, #tpu.memory_space<vmem>>) dst(%dma_wait3A_163 : memref<8x8x128xf32, #tpu.memory_space<hbm>>)
    return
  }
}

</mosaic_0001>

<sc_bundles>
// kernel: kernel.3.cloned.1.call-start
scs
__scs_entry_jumppad:
0x0: {  	(pc) =	sbr.rel $0x88, $3  }
0x1: {  	(tag) =	ssettag $0x0;
	lr =	simm.s32 $0x1  }
0x2: {  	[smem:$0x3F9F] =	sst lr;
	_ =	strace $0xD0000000  }
0x3: {  	_ = 	snop  }
0x4: {  	_ = 	snop  }
0x5: {  	_ = 	snop  }
0x6: {  	_ = 	snop  }
0x7: {  	_ = 	snop  }
__scs_overlays_trampoline_lowered:
0x8: {  	[smem:$0x3FAE] =	sst s0  }
0x9: {  	[smem:$0x3FAF] =	sst s1  }
0xa: {  	[smem:$0x3FB0] =	sst s2  }
0xb: {  	[smem:$0x3FB1] =	sst s3  }
0xc: {  	[smem:$0x3FB2] =	sst s4  }
0xd: {  	[smem:$0x3FB3] =	sst s5  }
0xe: {  	[smem:$0x3FB4] =	sst s6  }
0xf: {  	[smem:$0x3FB5] =	sst s7  }
0x10: {  	[smem:$0x3FB6] =	sst s8  }
0x11: {  	[smem:$0x3FB7] =	sst s9;
	s0 =	simm.s32 @!p0 $0x0  }
0x12: {  	s1 =	sld [smem:$0x3F9D];
	s0 =	simm.s32 @p0 $0x1  }
0x13: {  	[smem:$0x3FB8] =	sst s0;
	s0 =	simm.s32 @!p1 $0x0  }
0x14: {  	s2 =	sld [smem:$0x3F9C];
	s0 =	simm.s32 @p1 $0x1  }
0x15: {  	[smem:$0x3FB9] =	sst s0;
	s0 =	simm.s32 @!p2 $0x0  }
0x16: {  	s3 =	sld [smem:$0x3FDB];
	s0 =	simm.s32 @p2 $0x1  }
0x17: {  	s4 =	simm.s32 $0x1BF5;
	[smem:$0x3FBB] =	sst s0  }
0x18: {  	s0 =	sld [smem:$0x3F9E];
	_ =	swait.ge [sflag:s4], $0x0  }
0x19: {  	s7 =	sld [smem:$0x3F9F]  }
0x1a: {  	s8 =	sadd.s32 $0xFFFFE003, lr  }
0x1b: {  	s9 =	sadd.s32 $0xFFFFFEF7, lr;
	s5 =	simm.s32 $0xFFFFFFFF;
	p2 =	slt.u32 s8, $0xFFFFF086  }
0x1c: {  	p1 =	slt.u32 s9, $0xF7A;
	s5 =	simm.s32 @!p2 $0x0  }
0x1d: {  	s5 =	simm.s32 @p1 $0x1;
	p0 =	seq.s32 s7, s2  }
0x1e: {  	s7 =	smul.u32 @!p0 $0xF7A, s2;
	p2 =	seq.s32 @!p0 s5, $0x0  }
0x1f: {  	s9 =	smul.u32 $0xF7A, s1;
	s8 =	simm.s32 @!p0 $0x1BF5;
	p2 =	por !p2, p0  }
0x20: {  	[sflag:s8] =	ssyncset.s32 @!p0 $0xFFFFF086;
	s6 =	sadd.s32 @!p0 s3, s7;
	s7 =	simm.s32 @!p0 $0x108  }
0x21: {  	s3 =	sadd.s32 s3, s9;
	s6 =	sadd.s32 @!p0 $0x88, s6;
	s7 =	simm.s32 @p2 $0x1082  }
0x22: {  	[simem:s7], [sflag:s8] =	dma.local @!p0 [hbm:s6], $0xF7A  }
0x23: {  	s9 =	sor.u32 $0xD0000000, s2;
	s6 =	simm.s32 $0x108;
	_ =	swait.ge @!p0 [sflag:s8], $0x0  }
0x24: {  	s3 =	sadd.s32 $0x88, s3;
	s6 =	simm.s32 @!p1 $0x1082;
	[sflag:s4] =	ssyncset.s32 $0xFFFFF086  }
0x25: {  	[simem:s6], [sflag:s4] =	dma.local [hbm:s3], $0xF7A  }
0x26: {  	[smem:$0x3F9F] =	sst s1;
	(tag) =	ssettag s2;
	_ =	strace s9  }
0x27: {  	s1 =	sld [smem:$0x3FAF]  }
0x28: {  	s2 =	sld [smem:$0x3FB0]  }
0x29: {  	s4 =	sld [smem:$0x3FB2]  }
0x2a: {  	p0 =	seq.s32 s5, $0x0;
	s5 =	sld [smem:$0x3FB3]  }
0x2b: {  	s6 =	sld [smem:$0x3FB4]  }
0x2c: {  	s7 =	sld [smem:$0x3FB5]  }
0x2d: {  	s3 =	simm.s32 $0x108;
	s8 =	sld [smem:$0x3FB6]  }
0x2e: {  	s3 =	simm.s32 @!p0 $0x1082;
	s9 =	sld [smem:$0x3FB7]  }
0x2f: {  	lr =	sadd.s32 s0, s3;
	s0 =	sld [smem:$0x3FAE]  }
0x30: {  	s3 =	sld [smem:$0x3FB1]  }
0x31: {  	[smem:$0x3FBA] =	sst s10  }
0x32: {  	s10 =	sld [smem:$0x3FB8];
	_ =	sdelay $0x3  }
0x33: {  	p0 =	seq.s32 s10, $0x1;
	s10 =	sld [smem:$0x3FBA];
	_ =	sdelay $0x3  }
0x34: {  	[smem:$0x3FBA] =	sst s10  }
0x35: {  	s10 =	sld [smem:$0x3FB9];
	_ =	sdelay $0x3  }
0x36: {  	p1 =	seq.s32 s10, $0x1;
	s10 =	sld [smem:$0x3FBA];
	_ =	sdelay $0x3  }
0x37: {  	[smem:$0x3FBA] =	sst s10  }
0x38: {  	s10 =	sld [smem:$0x3FBB]  }
0x39: {  	_ = 	snop;
	(pc) =	sbr.ind lr, $3  }
0x3a: {  	_ = 	snop  }
0x3b: {  	_ = 	snop  }
0x3c: {  	p2 =	seq.s32 s10, $0x1;
	s10 =	sld [smem:$0x3FBA]  }
0x3d: {  	_ =	shalt  }
0x3e: {  	_ =	shalt  }
0x3f: {  	_ =	shalt  }
0x40: {  	_ =	shalt  }
0x41: {  	_ =	shalt  }
0x42: {  	_ =	shalt  }
0x43: {  	_ =	shalt  }
0x44: {  	_ =	shalt  }
0x45: {  	_ =	shalt  }
0x46: {  	_ =	shalt  }
0x47: {  	_ =	shalt  }
0x48: {  	_ =	shalt  }
0x49: {  	_ =	shalt  }
0x4a: {  	_ =	shalt  }
0x4b: {  	_ =	shalt  }
0x4c: {  	_ =	shalt  }
0x4d: {  	_ =	shalt  }
0x4e: {  	_ =	shalt  }
0x4f: {  	_ =	shalt  }
0x50: {  	_ =	shalt  }
0x51: {  	_ =	shalt  }
0x52: {  	_ =	shalt  }
0x53: {  	_ =	shalt  }
0x54: {  	_ =	shalt  }
0x55: {  	_ =	shalt  }
0x56: {  	_ =	shalt  }
0x57: {  	_ =	shalt  }
0x58: {  	_ =	shalt  }
0x59: {  	_ =	shalt  }
0x5a: {  	_ =	shalt  }
0x5b: {  	_ =	shalt  }
0x5c: {  	_ =	shalt  }
0x5d: {  	_ =	shalt  }
0x5e: {  	_ =	shalt  }
0x5f: {  	_ =	shalt  }
0x60: {  	_ =	shalt  }
0x61: {  	_ =	shalt  }
0x62: {  	_ =	shalt  }
0x63: {  	_ =	shalt  }
0x64: {  	_ =	shalt  }
0x65: {  	_ =	shalt  }
0x66: {  	_ =	shalt  }
0x67: {  	_ =	shalt  }
0x68: {  	_ =	shalt  }
0x69: {  	_ =	shalt  }
0x6a: {  	_ =	shalt  }
0x6b: {  	_ =	shalt  }
0x6c: {  	_ =	shalt  }
0x6d: {  	_ =	shalt  }
0x6e: {  	_ =	shalt  }
0x6f: {  	_ =	shalt  }
0x70: {  	_ =	shalt  }
0x71: {  	_ =	shalt  }
0x72: {  	_ =	shalt  }
0x73: {  	_ =	shalt  }
0x74: {  	_ =	shalt  }
0x75: {  	_ =	shalt  }
0x76: {  	_ =	shalt  }
0x77: {  	_ =	shalt  }
0x78: {  	_ =	shalt  }
0x79: {  	_ =	shalt  }
0x7a: {  	_ =	shalt  }
0x7b: {  	_ =	shalt  }
0x7c: {  	_ =	shalt  }
0x7d: {  	_ =	shalt  }
0x7e: {  	_ =	shalt  }
0x7f: {  	_ =	shalt  }
0x80: {  	_ =	shalt  }
0x81: {  	_ =	shalt  }
0x82: {  	_ =	shalt  }
0x83: {  	_ =	shalt  }
0x84: {  	_ =	shalt  }
0x85: {  	_ =	shalt  }
0x86: {  	_ =	shalt  }
0x87: {  	_ =	shalt  }
.Lfunc_end0:
.L_simem_size_0:
called_computation_lowered:
.L_overlay_start_0:
0x88: {  	s2 =	sld [smem:$0x3FD9]  }
0x89: {  	s3 =	sld [smem:$0x3FFE];
	_ =	sdelay $0x1  }
0x8a: {  	s1 =	srdreg.scid  }
0x8b: {  	s0 =	sand.u32 $0x1, s1  }
0x8c: {  	s17 =	sshll.u32 s0, $0xA;
	s2 =	sadd.s32 s3, s2  }
0x8d: {  	s2 =	sadd.s32 s2, s17  }
0x8e: {  	[smem:$0x3FC6] =	sst s2  }
0x8f: {  	_ = 	snop  }
0x90: {  	s2 =	sld [smem:$0x3FD0];
	(tm) =	ssettm $0x1  }
0x91: {  	s18 =	sld [smem:$0x3FFB];
	_ =	sdelay $0x3  }
0x92: {  	_ =	strace s18  }
0x93: {  	s3 =	sld [smem:$0x3FFC];
	_ =	sdelay $0x3  }
0x94: {  	_ =	strace s3  }
0x95: {  	s3 =	sld [smem:$0x3FFD];
	_ =	sdelay $0x3  }
0x96: {  	_ =	strace s3  }
0x97: {  	_ =	strace $0x8FFFFFFF  }
0x98: {  	s19 =	sld [smem:$0x3FDB];
	_ =	sdelay $0x1  }
0x99: {  	s4 =	simm.s32 $_scs_section_size  }
0x9a: {  	s5 =	simm.s32 $_size__tile_overlayer_lowered;
	s6 =	simm.s32 $_tile_overlayer_lowered  }
0x9b: {  	s22 =	simm.s32 $0x1BFF;
	s21 =	sshll.u32 s6, $0x1;
	s3 =	sadd.s32 s4, s19  }
0x9c: {  	s7 =	simm.s32 $0x0;
	s20 =	sshll.u32 s5, $0x1;
	s5 =	sadd.s32 s21, s3  }
0x9d: {  	[timem:s7], [sflag:s22] =	dma.local [hbm:s5], s20  }
0x9e: {  	_ =	swait.ge [sflag:s22], s20  }
0x9f: {  	s4 =	ssub.s32 $0x0, s20;
	[sflag:s22] =	ssyncset.done $0x0  }
0xa0: {  	[sflag:s22] =	ssyncadd.s32 s4;
	_ =	sdelay $0x1  }
0xa1: {  	s23 =	simm.s32 $0x1B8B  }
0xa2: {  	_ =	swait.ge [sflag:s23], $0x1  }
0xa3: {  	[sflag:s23] =	ssyncset.done $0x0  }
0xa4: {  	s25 =	simm.s32 $0x1B8E;
	s24 =	sld [smem:$0x3FFE];
	[sflag:s23] =	ssyncadd.s32 $0xFFFFFFFF  }
0xa5: {  	s26 =	simm.s32 $execute0_lowered;
	[smem:$0x3FD2] =	sst s25  }
0xa6: {  	s5 =	sshll.u32 s26, $0x1;
	_ =	strace $0x80000046;
	[dreg:$0x1] =	wrdreg $0xFFFFFFFF  }
0xa7: {  	s28 =	simm.s32 $_size_execute0_lowered;
	s3 =	sadd.s32 s3, s5;
	[dreg:$0x0] =	wrdreg $0x0  }
0xa8: {  	s5 =	sshll.u32 s28, $0x1;
	[dreg:$0x2] =	wrdreg s3  }
0xa9: {  	[dreg:$0x3] =	wrdreg s5  }
0xaa: {  	[dreg:$0x4] =	wrdreg $0xC0  }
0xab: {  	_ =	task [dreg:s7], $0x5FFFF  }
0xac: {  	[dreg:$0x1] =	wrdreg $0xFFFFFFFF  }
0xad: {  	[dreg:$0x0] =	wrdreg $0x60  }
0xae: {  	[dreg:$0x2] =	wrdreg s24  }
0xaf: {  	[dreg:$0x3] =	wrdreg s2  }
0xb0: {  	[dreg:$0x4] =	wrdreg $0x9  }
0xb1: {  	_ =	task.clear_ibuf [dreg:s7], $0x5FFFF;
	_ =	strace $0x90000046  }
0xb2: {  	s29 =	simm.s32 $0x9;
	_ =	strace $0x80000048  }
0xb3: {  	_ =	swait.ge [sflag:s29], $0x1  }
0xb4: {  	[sflag:s29] =	ssyncadd.s32 $0xFFFFFFFF  }
0xb5: {  	_ =	strace $0x90000048  }
0xb6: {  	_ =	sfence  }
0xb7: {  	s30 =	sld [smem:$0x0];
	_ =	sdelay $0x2  }
0xb8: {  	s31 =	sshll.u32 s1, $0xD;
	s1 =	sshrl.u32 s1, $0x2  }
0xb9: {  	s3 =	sand.u32 $0x4000, s31;
	s1 =	sadd.s32 s1, s30  }
0xba: {  	s0 =	sor.u32 s3, s0;
	s1 =	sshll.u32 s1, $0x11  }
0xbb: {  	s0 =	sor.u32 s1, s0  }
0xbc: {  	s0 =	sadd.s32 $0x8F2B, s0  }
0xbd: {  	[sflag:s0] =	ssyncadd.remote.s32 $0x1  }
0xbe: {  	_ =	sfence.sel $0xFFFF  }
0xbf: {  	[dreg:$0x0] =	wrdreg $0xFFFFFFFF;
	(pc) =	sbr.abs _section_cstart, $3  }
0xc0: {  	[dreg:$0x1] =	wrdreg $0xFFFFFFFF  }
0xc1: {  	_ =	task.clear_ibuf [dreg:s7], $0x2FFFF;
	_ =	strace $0x9FFFFFFF  }
0xc2: {  	(tm) =	ssettm $0x7FFFFFFF  }
0xc3: {  	_ =	shalt  }
tec
execute0_lowered:
.L_overlay_start_1:
0x0: {  	(tag) =	ssettag $0x1  }
0x1: {  	s0 =	rddreg [dreg:$0x0]  }
0x2: {  	s9 =	rddreg [dreg:$0x1];
	s3 =	simm.s32 $0x0;
	s1 =	srdreg.scid  }
0x3: {  	s2 =	stileid.u32;
	s30 =	simm.s32 $0x3;
	s11 =	simm.s32 $0x5  }
0x4: {  	s28 =	simm.s32 $0x8;
	s29 =	simm.s32 $0xA;
	[smem:$0x7FF] =	sst s3  }
0x5: {  	s1 =	sand.u32 $0x1, s1;
	s2 =	sshll.u32 s2, $0x1;
	s5 =	sadd.s32 $0x3D1200, s0  }
0x6: {  	s4 =	sadd.s32 $0x800, s0;
	s6 =	sadd.s32 $0x1313600, s0;
	s31 =	sadd.s32 $0x8000, s9  }
0x7: {  	s17 =	sadd.s32 $0x10000, s9;
	s18 =	sadd.s32 $0x18000, s9;
	_ =	strace $0x80000047  }
0x8: {  	s7 =	ssub.s32 $0x2, s1;
	s1 =	sor.u32 s1, s2;
	[dreg:$0xb] =	wrdreg s31  }
0x9: {  	s19 =	sshrl.u32 s7, $0x1;
	s8 =	sshll.u32 s1, $0x4;
	s1 =	sshll.u32 s1, $0x7  }
0xa: {  	s20 =	ssub.s32 s7, s19;
	s21 =	sadd.s32 s5, s8;
	s24 =	sor.u32 $0x4000, s1  }
0xb: {  	s25 =	sor.u32 $0x5000, s1;
	s26 =	sor.u32 $0x6000, s1;
	[dreg:$0x3] =	wrdreg s21  }
0xc: {  	s16 =	smov.u32 s1;
	s1 =	sor.u32 $0x7000, s1;
	[dreg:$0x7] =	wrdreg s24  }
0xd: {  	s19 =	simm.s32 $0x8200;
	s7 =	simm.s32 $0x6;
	[dreg:$0x8] =	wrdreg s25  }
0xe: {  	s8 =	simm.s32 $0x0;
	s22 =	sadd.s32 $0x200, s21;
	[dreg:$0x9] =	wrdreg s26  }
0xf: {  	s23 =	sadd.s32 $0x400, s21;
	s2 =	sadd.s32 $0x600, s21;
	[dreg:$0xa] =	wrdreg s1  }
.Ltmp0:
0x10: {  	s0 =	smax.u32 s20, $0x1;
	[dreg:$0x4] =	wrdreg s22;
	(pc) =	sbr.rel .LBB2_1-.Ltmp0, $4  }
0x11: {  	v0 =	vlaneseq.u32;
	s20 =	simm.s32 $0x80;
	s21 =	simm.s32 $0x100;
	[dreg:$0x5] =	wrdreg s23  }
0x12: {  	v0 =	vmul.u32 $0x88, v0;
	s26 =	simm.s32 $0x2;
	s1 =	simm.s32 $0xA400;
	[dreg:$0x6] =	wrdreg s2  }
0x13: {  	s24 =	simm.s32 $0x7;
	s25 =	simm.s32 $0x9;
	[dreg:$0xc] =	wrdreg s0  }
0x14: {  	v1 =	vadd.s32 $0x880, v0;
	v2 =	vadd.s32 $0x1100, v0;
	v3 =	vadd.s32 $0x1980, v0;
	s22 =	simm.s32 $0x180;
	s23 =	simm.s32 $0x1;
	s2 =	simm.s32 $0x4  }
.LBB2_20:
0x15: {  	_ =	swait.ge [sflag:s25], $0x2000  }
0x16: {  	[sflag:s25] =	ssyncset.done $0x0  }
0x17: {  	[sflag:s25] =	ssyncadd.s32 $0xFFFFE000  }
0x18: {  	_ =	swait.ge [sflag:s29], $0x2000  }
0x19: {  	s8 =	rddreg [dreg:$0xd]  }
0x1a: {  	s0 =	rddreg [dreg:$0xc];
	s8 =	sadd.s32 $0x1, s8  }
0x1b: {  	p0 =	sne.s32 s8, s0  }
.Ltmp1:
0x1c: {  	_ = 	snop;
	(pc) =	sbr.rel @!p0 .LBB2_21-.Ltmp1, $3  }
0x1d: {  	_ =	sdelay $0x1  }
0x1e: {  	[sflag:s29] =	ssyncset.done $0x0  }
0x1f: {  	[sflag:s29] =	ssyncadd.s32 $0xFFFFE000  }
.LBB2_1:
0x20: {  	[dreg:$0xd] =	wrdreg s8  }
0x21: {  	s0 =	rddreg [dreg:$0x3]  }
0x22: {  	[tilespmem:s3], [sflag:$0x1] =	stream.linear.gather [hbm4b:s0+s3], $0x80, $0x38;
	[tilespmem:$0xC600] =	vst v63  }
0x23: {  	s12 =	rddreg [dreg:$0x4]  }
0x24: {  	[tilespmem:s20], [sflag:$0x2] =	stream.linear.gather [hbm4b:s12+s3], $0x80, $0x38;
	[tilespmem:$0xC600] =	vst v63  }
0x25: {  	s13 =	rddreg [dreg:$0x5]  }
0x26: {  	[tilespmem:s21], [sflag:$0x3] =	stream.linear.gather [hbm4b:s13+s3], $0x80, $0x38;
	[tilespmem:$0xC600] =	vst v63  }
0x27: {  	s14 =	rddreg [dreg:$0x6]  }
0x28: {  	[tilespmem:s22], [sflag:$0x4] =	stream.linear.gather [hbm4b:s14+s3], $0x80, $0x38;
	[tilespmem:$0xC600] =	vst v63  }
0x29: {  	_ =	swait.ge [sflag:s23], $0x80  }
0x2a: {  	[sflag:s23] =	ssyncset.done $0x0  }
0x2b: {  	s15 =	simm.s32 $0x200;
	[sflag:s23] =	ssyncadd.s32 $0xFFFFFF80  }
0x2c: {  	[tilespmem:s15], [sflag:$0x5] =	stream.indirect.gather [hbm4b:s4+s20], $0x20, s3, s20, $0xb8;
	[tilespmem:$0xC600] =	vst v63  }
0x2d: {  	s8 =	simm.s32 $0x4200  }
0x2e: {  	[tilespmem:s8], [sflag:$0x5] =	stream.indirect.gather [hbm4b:s6+s20], $0x20, s3, s20, $0xb8;
	[tilespmem:$0xC600] =	vst v63  }
0x2f: {  	_ =	swait.ge [sflag:s26], $0x80  }
0x30: {  	[sflag:s26] =	ssyncset.done $0x0  }
0x31: {  	s9 =	simm.s32 $0x1200;
	[sflag:s26] =	ssyncadd.s32 $0xFFFFFF80  }
0x32: {  	[tilespmem:s9], [sflag:$0x6] =	stream.indirect.gather [hbm4b:s4+s20], $0x20, s20, s20, $0xb8;
	[tilespmem:$0xC600] =	vst v63  }
0x33: {  	s10 =	simm.s32 $0x5200  }
0x34: {  	[tilespmem:s10], [sflag:$0x6] =	stream.indirect.gather [hbm4b:s6+s20], $0x20, s20, s20, $0xb8;
	[tilespmem:$0xC600] =	vst v63  }
0x35: {  	_ =	swait.ge [sflag:s30], $0x80  }
0x36: {  	[sflag:s30] =	ssyncset.done $0x0  }
0x37: {  	s12 =	simm.s32 $0x2200;
	[sflag:s30] =	ssyncadd.s32 $0xFFFFFF80  }
0x38: {  	[tilespmem:s12], [sflag:$0x7] =	stream.indirect.gather [hbm4b:s4+s20], $0x20, s21, s20, $0xb8;
	[tilespmem:$0xC600] =	vst v63  }
0x39: {  	s13 =	simm.s32 $0x6200  }
0x3a: {  	[tilespmem:s13], [sflag:$0x7] =	stream.indirect.gather [hbm4b:s6+s20], $0x20, s21, s20, $0xb8;
	[tilespmem:$0xC600] =	vst v63  }
0x3b: {  	_ =	swait.ge [sflag:s2], $0x80  }
0x3c: {  	[sflag:s2] =	ssyncset.done $0x0  }
0x3d: {  	s14 =	simm.s32 $0x3200;
	[sflag:s2] =	ssyncadd.s32 $0xFFFFFF80  }
0x3e: {  	[tilespmem:s14], [sflag:$0x8] =	stream.indirect.gather [hbm4b:s4+s20], $0x20, s22, s20, $0xb8;
	[tilespmem:$0xC600] =	vst v63  }
0x3f: {  	s31 =	simm.s32 $0x0;
	s15 =	simm.s32 $0x7200  }
0x40: {  	[tilespmem:s15], [sflag:$0x8] =	stream.indirect.gather [hbm4b:s6+s20], $0x20, s22, s20, $0xb8;
	[tilespmem:$0xC600] =	vst v63  }
.LBB2_2:
0x41: {  	_ =	swait.ge [sflag:s11], $0x1000  }
0x42: {  	[sflag:s11] =	ssyncset.done $0x0  }
0x43: {  	[sflag:s11] =	ssyncadd.s32 $0xFFFFF000  }
0x44: {  	_ =	swait.ge [sflag:s11], $0x1000  }
0x45: {  	p1 =	seq.s32 s31, $0x0;
	[sflag:s11] =	ssyncset.done $0x0  }
0x46: {  	s0 =	simm.s32 @!p1 $0x9;
	[sflag:s11] =	ssyncadd.s32 $0xFFFFF000  }
0x47: {  	s8 =	simm.s32 $0x0;
	_ =	swait.ge @!p1 [sflag:s0], $0x2000  }
0x48: {  	v4 =	vmov s8;
	[sflag:s0] =	ssyncset.done @!p1 $0x0  }
0x49: {  	s9 =	simm.s32 $0x240;
	v4 =	vand.u32 $0x7C, v4;
	[sflag:s0] =	ssyncadd.s32 @!p1 $0xFFFFE000  }
0x4a: {  	v6 =	vadd.s32 v0, v4;
	v5 =	vld [tilespmem:s9+$0xFFFFFFC0]  }
0x4b: {  	s10 =	simm.s32 $0x4240;
	v8 =	vadd.s32 v1, v4;
	v7 =	vld [tilespmem:s9+$0xFFFFFFD0]  }
0x4c: {  	v10 =	vadd.s32 v2, v4;
	v9 =	vld [tilespmem:s10+$0xFFFFFFC0]  }
0x4d: {  	v4 =	vadd.s32 v3, v4;
	v11 =	vld [tilespmem:s10+$0xFFFFFFD0];
	_ =	sdelay $0x1  }
0x4e: {  	[tilespmem:v6+s19+$0x0] =	vst.idx.msk $0xffff, v5  }
0x4f: {  	s13 =	simm.s32 $0x1;
	[tilespmem:v8+s19+$0x0] =	vst.idx.msk $0xffff, v7  }
0x50: {  	v5 =	vmov s13;
	[tilespmem:v10+s19+$0x0] =	vst.idx.msk $0xffff, v9  }
0x51: {  	[tilespmem:v4+s19+$0x0] =	vst.idx.msk $0xffff, v11;
	v4 =	vand.u32 $0x7D, v5  }
0x52: {  	v5 =	vld [tilespmem:s9+$0xFFFFFFE0];
	v6 =	vadd.s32 v0, v4  }
0x53: {  	v7 =	vld [tilespmem:s9+$0xFFFFFFF0];
	v8 =	vadd.s32 v1, v4  }
0x54: {  	v9 =	vld [tilespmem:s10+$0xFFFFFFE0];
	v60 =	vadd.s32 v2, v4  }
0x55: {  	v11 =	vld [tilespmem:s10+$0xFFFFFFF0];
	v4 =	vadd.s32 v3, v4;
	_ =	sdelay $0x1  }
0x56: {  	[tilespmem:v6+s19+$0x0] =	vst.idx.msk $0xffff, v5  }
0x57: {  	s14 =	simm.s32 $0x2;
	[tilespmem:v8+s19+$0x0] =	vst.idx.msk $0xffff, v7  }
0x58: {  	v5 =	vmov s14;
	[tilespmem:v60+s19+$0x0] =	vst.idx.msk $0xffff, v9  }
0x59: {  	[tilespmem:v4+s19+$0x0] =	vst.idx.msk $0xffff, v11;
	v4 =	vand.u32 $0x7E, v5  }
0x5a: {  	v5 =	vld [tilespmem:s9+$0x0];
	v6 =	vadd.s32 v0, v4  }
0x5b: {  	v7 =	vld [tilespmem:s9+$0x10];
	v8 =	vadd.s32 v1, v4  }
0x5c: {  	v9 =	vld [tilespmem:s10+$0x0];
	v61 =	vadd.s32 v2, v4  }
0x5d: {  	v11 =	vld [tilespmem:s10+$0x10];
	v4 =	vadd.s32 v3, v4;
	_ =	sdelay $0x1  }
0x5e: {  	[tilespmem:v6+s19+$0x0] =	vst.idx.msk $0xffff, v5  }
0x5f: {  	s15 =	simm.s32 $0x3;
	[tilespmem:v8+s19+$0x0] =	vst.idx.msk $0xffff, v7  }
0x60: {  	v5 =	vmov s15;
	[tilespmem:v61+s19+$0x0] =	vst.idx.msk $0xffff, v9  }
0x61: {  	v5 =	vand.u32 $0x7F, v5;
	[tilespmem:v4+s19+$0x0] =	vst.idx.msk $0xffff, v11  }
0x62: {  	v7 =	vadd.s32 v0, v5;
	v6 =	vld [tilespmem:s9+$0x20]  }
0x63: {  	v62 =	vadd.s32 v1, v5;
	v8 =	vld [tilespmem:s9+$0x30]  }
0x64: {  	v63 =	vadd.s32 v2, v5;
	v10 =	vld [tilespmem:s10+$0x20];
	_ =	sdelay $0x1  }
0x65: {  	v5 =	vadd.s32 v3, v5;
	v4 =	vld [tilespmem:s10+$0x30]  }
0x66: {  	[tilespmem:v7+s19+$0x0] =	vst.idx.msk $0xffff, v6  }
0x67: {  	s15 =	simm.s32 $0x4;
	[tilespmem:v62+s19+$0x0] =	vst.idx.msk $0xffff, v8  }
0x68: {  	s8 =	simm.s32 $0x8;
	s0 =	sshll.u32 s31, $0xE;
	v6 =	vmov s15;
	[tilespmem:v63+s19+$0x0] =	vst.idx.msk $0xffff, v10  }
.LBB2_3:
0x69: {  	s9 =	sadd.s32 $0x80, s9  }
0x6a: {  	v6 =	vand.u32 $0x7C, v6;
	[tilespmem:v5+s19+$0x0] =	vst.idx.msk $0xffff, v4;
	s10 =	sadd.s32 $0x80, s10;
	s13 =	smov.u32 s8;
	s12 =	sadd.s32 $0x4, s8  }
0x6b: {  	p0 =	sne.s32 s8, $0x7C;
	v4 =	vld [tilespmem:s9+$0xFFFFFFC0];
	v5 =	vadd.s32 v0, v6  }
0x6c: {  	v8 =	vadd.s32 v1, v6;
	v7 =	vld [tilespmem:s9+$0xFFFFFFD0]  }
0x6d: {  	v10 =	vadd.s32 v2, v6;
	v9 =	vld [tilespmem:s10+$0xFFFFFFC0]  }
0x6e: {  	v6 =	vadd.s32 v3, v6;
	v11 =	vld [tilespmem:s10+$0xFFFFFFD0];
	_ =	sdelay $0x1  }
0x6f: {  	[tilespmem:v5+s19+$0x0] =	vst.idx.msk $0xffff, v4  }
0x70: {  	s8 =	sadd.s32 $0x1, s15;
	[tilespmem:v8+s19+$0x0] =	vst.idx.msk $0xffff, v7  }
0x71: {  	v4 =	vmov s8;
	[tilespmem:v10+s19+$0x0] =	vst.idx.msk $0xffff, v9  }
0x72: {  	v4 =	vand.u32 $0x7D, v4;
	[tilespmem:v6+s19+$0x0] =	vst.idx.msk $0xffff, v11  }
0x73: {  	v6 =	vadd.s32 v0, v4;
	v5 =	vld [tilespmem:s9+$0xFFFFFFE0]  }
0x74: {  	v8 =	vadd.s32 v1, v4;
	v7 =	vld [tilespmem:s9+$0xFFFFFFF0]  }
0x75: {  	v10 =	vadd.s32 v2, v4;
	v9 =	vld [tilespmem:s10+$0xFFFFFFE0]  }
0x76: {  	v4 =	vadd.s32 v3, v4;
	v11 =	vld [tilespmem:s10+$0xFFFFFFF0];
	_ =	sdelay $0x1  }
0x77: {  	[tilespmem:v6+s19+$0x0] =	vst.idx.msk $0xffff, v5  }
0x78: {  	s8 =	sadd.s32 $0x2, s15;
	[tilespmem:v8+s19+$0x0] =	vst.idx.msk $0xffff, v7  }
0x79: {  	v5 =	vmov s8;
	[tilespmem:v10+s19+$0x0] =	vst.idx.msk $0xffff, v9  }
0x7a: {  	[tilespmem:v4+s19+$0x0] =	vst.idx.msk $0xffff, v11;
	v4 =	vand.u32 $0x7E, v5  }
0x7b: {  	v5 =	vld [tilespmem:s9+$0x0];
	v6 =	vadd.s32 v0, v4  }
0x7c: {  	v8 =	vadd.s32 v1, v4;
	v7 =	vld [tilespmem:s9+$0x10]  }
0x7d: {  	v10 =	vadd.s32 v2, v4;
	v9 =	vld [tilespmem:s10+$0x0]  }
0x7e: {  	v4 =	vadd.s32 v3, v4;
	v11 =	vld [tilespmem:s10+$0x10];
	_ =	sdelay $0x1  }
0x7f: {  	[tilespmem:v6+s19+$0x0] =	vst.idx.msk $0xffff, v5  }
0x80: {  	s8 =	sadd.s32 $0x3, s15;
	s15 =	smov.u32 s13;
	[tilespmem:v8+s19+$0x0] =	vst.idx.msk $0xffff, v7  }
0x81: {  	v5 =	vmov s8;
	[tilespmem:v10+s19+$0x0] =	vst.idx.msk $0xffff, v9  }
0x82: {  	v5 =	vand.u32 $0x7F, v5;
	[tilespmem:v4+s19+$0x0] =	vst.idx.msk $0xffff, v11  }
0x83: {  	v7 =	vadd.s32 v0, v5;
	v6 =	vld [tilespmem:s9+$0x20]  }
0x84: {  	v9 =	vadd.s32 v1, v5;
	v8 =	vld [tilespmem:s9+$0x30]  }
0x85: {  	v11 =	vadd.s32 v2, v5;
	v10 =	vld [tilespmem:s10+$0x20]  }
.Ltmp2:
0x86: {  	v5 =	vadd.s32 v3, v5;
	v4 =	vld [tilespmem:s10+$0x30];
	(pc) =	sbr.rel @p0 .LBB2_3-.Ltmp2, $4  }
0x87: {  	_ = 	snop  }
0x88: {  	[tilespmem:v7+s19+$0x0] =	vst.idx.msk $0xffff, v6  }
0x89: {  	[tilespmem:v9+s19+$0x0] =	vst.idx.msk $0xffff, v8  }
0x8a: {  	s8 =	smov.u32 s12;
	v6 =	vmov s15;
	[tilespmem:v11+s19+$0x0] =	vst.idx.msk $0xffff, v10  }
0x8b: {  	_ =	sdelay $0x3  }
0x8c: {  	v6 =	vand.u32 $0x7C, v6;
	[tilespmem:v5+s19+$0x0] =	vst.idx.msk $0xffff, v4;
	s8 =	sadd.s32 $0x80, s9  }
0x8d: {  	v4 =	vld [tilespmem:s8+$0xFFFFFFC0];
	v5 =	vadd.s32 v0, v6  }
0x8e: {  	s9 =	sadd.s32 $0x80, s10;
	v7 =	vld [tilespmem:s8+$0xFFFFFFD0];
	v8 =	vadd.s32 v1, v6  }
0x8f: {  	v9 =	vld [tilespmem:s9+$0xFFFFFFC0];
	v10 =	vadd.s32 v2, v6  }
0x90: {  	v11 =	vld [tilespmem:s9+$0xFFFFFFD0];
	v6 =	vadd.s32 v3, v6;
	_ =	sdelay $0x1  }
0x91: {  	[tilespmem:v5+s19+$0x0] =	vst.idx.msk $0xffff, v4  }
0x92: {  	s13 =	sadd.s32 $0x1, s15;
	[tilespmem:v8+s19+$0x0] =	vst.idx.msk $0xffff, v7  }
0x93: {  	v4 =	vmov s13;
	[tilespmem:v10+s19+$0x0] =	vst.idx.msk $0xffff, v9  }
0x94: {  	v4 =	vand.u32 $0x7D, v4;
	[tilespmem:v6+s19+$0x0] =	vst.idx.msk $0xffff, v11  }
0x95: {  	v55 =	vadd.s32 v0, v4;
	v5 =	vld [tilespmem:s8+$0xFFFFFFE0]  }
0x96: {  	v56 =	vadd.s32 v1, v4;
	v7 =	vld [tilespmem:s8+$0xFFFFFFF0]  }
0x97: {  	v57 =	vadd.s32 v2, v4;
	v9 =	vld [tilespmem:s9+$0xFFFFFFE0]  }
0x98: {  	v4 =	vadd.s32 v3, v4;
	v11 =	vld [tilespmem:s9+$0xFFFFFFF0];
	_ =	sdelay $0x1  }
0x99: {  	[tilespmem:v55+s19+$0x0] =	vst.idx.msk $0xffff, v5  }
0x9a: {  	s14 =	sadd.s32 $0x2, s15;
	[tilespmem:v56+s19+$0x0] =	vst.idx.msk $0xffff, v7  }
0x9b: {  	v5 =	vmov s14;
	[tilespmem:v57+s19+$0x0] =	vst.idx.msk $0xffff, v9  }
0x9c: {  	[tilespmem:v4+s19+$0x0] =	vst.idx.msk $0xffff, v11;
	v4 =	vand.u32 $0x7E, v5  }
0x9d: {  	v5 =	vld [tilespmem:s8+$0x0];
	v58 =	vadd.s32 v0, v4  }
0x9e: {  	v7 =	vld [tilespmem:s8+$0x10];
	v59 =	vadd.s32 v1, v4  }
0x9f: {  	v9 =	vld [tilespmem:s9+$0x0];
	v60 =	vadd.s32 v2, v4  }
0xa0: {  	v11 =	vld [tilespmem:s9+$0x10];
	v4 =	vadd.s32 v3, v4;
	_ =	sdelay $0x1  }
0xa1: {  	[tilespmem:v58+s19+$0x0] =	vst.idx.msk $0xffff, v5  }
0xa2: {  	s12 =	sadd.s32 $0x3, s15;
	[tilespmem:v59+s19+$0x0] =	vst.idx.msk $0xffff, v7  }
0xa3: {  	v5 =	vmov s12;
	[tilespmem:v60+s19+$0x0] =	vst.idx.msk $0xffff, v9  }
0xa4: {  	[tilespmem:v4+s19+$0x0] =	vst.idx.msk $0xffff, v11;
	v4 =	vand.u32 $0x7F, v5  }
0xa5: {  	v5 =	vld [tilespmem:s8+$0x20];
	v61 =	vadd.s32 v0, v4  }
0xa6: {  	v7 =	vld [tilespmem:s8+$0x30];
	v62 =	vadd.s32 v1, v4  }
0xa7: {  	v9 =	vld [tilespmem:s9+$0x20];
	v63 =	vadd.s32 v2, v4  }
0xa8: {  	v11 =	vld [tilespmem:s9+$0x30];
	v4 =	vadd.s32 v3, v4;
	_ =	sdelay $0x1  }
0xa9: {  	[tilespmem:v61+s19+$0x0] =	vst.idx.msk $0xffff, v5  }
0xaa: {  	s13 =	sshll.u32 s31, $0x11;
	[tilespmem:v62+s19+$0x0] =	vst.idx.msk $0xffff, v7  }
0xab: {  	s14 =	rddreg [dreg:$0x1];
	s9 =	sor.u32 s16, s13;
	[tilespmem:v63+s19+$0x0] =	vst.idx.msk $0xffff, v9  }
0xac: {  	s15 =	simm.s32 $0x8200;
	s12 =	sadd.s32 s14, s9;
	[tilespmem:v4+s19+$0x0] =	vst.idx.msk $0xffff, v11  }
0xad: {  	[hbm4b:s12+s3] =	stream.linear.scatter [tilespmem:s15], [sflag:$0x9], $0x80, $0x38;
	[tilespmem:$0xC600] =	vst v63  }
0xae: {  	s10 =	simm.s32 $0x8288;
	s13 =	sadd.s32 $0x10, s12  }
0xaf: {  	[hbm4b:s13+s3] =	stream.linear.scatter [tilespmem:s10], [sflag:$0x9], $0x80, $0x38;
	[tilespmem:$0xC600] =	vst v63  }
0xb0: {  	s14 =	simm.s32 $0x8310;
	s15 =	sadd.s32 $0x20, s12  }
0xb1: {  	[hbm4b:s15+s3] =	stream.linear.scatter [tilespmem:s14], [sflag:$0x9], $0x80, $0x38;
	[tilespmem:$0xC600] =	vst v63  }
0xb2: {  	s10 =	simm.s32 $0x8398;
	s13 =	sadd.s32 $0x30, s12  }
0xb3: {  	[hbm4b:s13+s3] =	stream.linear.scatter [tilespmem:s10], [sflag:$0x9], $0x80, $0x38;
	[tilespmem:$0xC600] =	vst v63  }
0xb4: {  	s14 =	simm.s32 $0x8420;
	s15 =	sadd.s32 $0x40, s12  }
0xb5: {  	[hbm4b:s15+s3] =	stream.linear.scatter [tilespmem:s14], [sflag:$0x9], $0x80, $0x38;
	[tilespmem:$0xC600] =	vst v63  }
0xb6: {  	s8 =	simm.s32 $0x2200;
	s10 =	simm.s32 $0x84A8;
	s13 =	sadd.s32 $0x50, s12  }
0xb7: {  	[hbm4b:s13+s3] =	stream.linear.scatter [tilespmem:s10], [sflag:$0x9], $0x80, $0x38;
	[tilespmem:$0xC600] =	vst v63  }
0xb8: {  	s14 =	simm.s32 $0x8530;
	s15 =	sadd.s32 $0x60, s12;
	s10 =	simm.s32 $0x440  }
0xb9: {  	[hbm4b:s15+s3] =	stream.linear.scatter [tilespmem:s14], [sflag:$0x9], $0x80, $0x38;
	[tilespmem:$0xC600] =	vst v63  }
0xba: {  	s13 =	simm.s32 $0x85B8;
	s14 =	sadd.s32 $0x70, s12;
	s12 =	sadd.s32 $0x1000, s12  }
.LBB2_5:
0xbb: {  	[hbm4b:s14+s3] =	stream.linear.scatter [tilespmem:s13], [sflag:$0x9], $0x80, $0x38;
	[tilespmem:$0xC600] =	vst v63  }
0xbc: {  	s13 =	smov.u32 s10;
	s10 =	smov.u32 s8  }
0xbd: {  	s15 =	sadd.s32 $0x1100, s8;
	s10 =	sshra.s32 s10, $0x2;
	s14 =	sadd.s32 $0x8200, s13  }
0xbe: {  	[hbm4b:s12+s3] =	stream.linear.scatter [tilespmem:s14], [sflag:$0x9], $0x80, $0x38;
	[tilespmem:$0xC600] =	vst v63  }
0xbf: {  	p0 =	sne.s32 s8, $0x7700;
	s8 =	sadd.s32 $0x8288, s13;
	s14 =	sadd.s32 $0x10, s12  }
0xc0: {  	[hbm4b:s14+s3] =	stream.linear.scatter [tilespmem:s8], [sflag:$0x9], $0x80, $0x38;
	[tilespmem:$0xC600] =	vst v63  }
0xc1: {  	s8 =	sadd.s32 $0x8310, s13;
	s14 =	sadd.s32 $0x20, s12  }
0xc2: {  	[hbm4b:s14+s3] =	stream.linear.scatter [tilespmem:s8], [sflag:$0x9], $0x80, $0x38;
	[tilespmem:$0xC600] =	vst v63  }
0xc3: {  	s8 =	sadd.s32 $0x8398, s13;
	s14 =	sadd.s32 $0x30, s12  }
0xc4: {  	[hbm4b:s14+s3] =	stream.linear.scatter [tilespmem:s8], [sflag:$0x9], $0x80, $0x38;
	[tilespmem:$0xC600] =	vst v63  }
0xc5: {  	s8 =	sadd.s32 $0x8420, s13;
	s14 =	sadd.s32 $0x40, s12  }
0xc6: {  	[hbm4b:s14+s3] =	stream.linear.scatter [tilespmem:s8], [sflag:$0x9], $0x80, $0x38;
	[tilespmem:$0xC600] =	vst v63  }
.Ltmp3:
0xc7: {  	s8 =	sadd.s32 $0x84A8, s13;
	s14 =	sadd.s32 $0x50, s12;
	(pc) =	sbr.rel @p0 .LBB2_5-.Ltmp3, $4  }
0xc8: {  	[hbm4b:s14+s3] =	stream.linear.scatter [tilespmem:s8], [sflag:$0x9], $0x80, $0x38;
	[tilespmem:$0xC600] =	vst v63  }
0xc9: {  	s8 =	sadd.s32 $0x8530, s13;
	s14 =	sadd.s32 $0x60, s12;
	s13 =	sadd.s32 $0x85B8, s13  }
0xca: {  	[hbm4b:s14+s3] =	stream.linear.scatter [tilespmem:s8], [sflag:$0x9], $0x80, $0x38;
	[tilespmem:$0xC600] =	vst v63  }
0xcb: {  	s14 =	sadd.s32 $0x70, s12;
	s12 =	sadd.s32 $0x1000, s12;
	s8 =	smov.u32 s15  }
0xcc: {  	[hbm4b:s14+s3] =	stream.linear.scatter [tilespmem:s13], [sflag:$0x9], $0x80, $0x38;
	[tilespmem:$0xC600] =	vst v63  }
0xcd: {  	s8 =	sadd.s32 $0x8200, s10  }
0xce: {  	[hbm4b:s12+s3] =	stream.linear.scatter [tilespmem:s8], [sflag:$0x9], $0x80, $0x38;
	[tilespmem:$0xC600] =	vst v63  }
0xcf: {  	s14 =	sadd.s32 $0x8288, s10;
	s15 =	sadd.s32 $0x10, s12  }
0xd0: {  	[hbm4b:s15+s3] =	stream.linear.scatter [tilespmem:s14], [sflag:$0x9], $0x80, $0x38;
	[tilespmem:$0xC600] =	vst v63  }
0xd1: {  	s14 =	sadd.s32 $0x8310, s10;
	s15 =	sadd.s32 $0x20, s12  }
0xd2: {  	[hbm4b:s15+s3] =	stream.linear.scatter [tilespmem:s14], [sflag:$0x9], $0x80, $0x38;
	[tilespmem:$0xC600] =	vst v63  }
0xd3: {  	s14 =	sadd.s32 $0x8398, s10;
	s15 =	sadd.s32 $0x30, s12  }
0xd4: {  	[hbm4b:s15+s3] =	stream.linear.scatter [tilespmem:s14], [sflag:$0x9], $0x80, $0x38;
	[tilespmem:$0xC600] =	vst v63  }
0xd5: {  	p0 =	seq.s32 s31, $0x31;
	s14 =	sadd.s32 $0x8420, s10;
	s15 =	sadd.s32 $0x40, s12  }
0xd6: {  	[hbm4b:s15+s3] =	stream.linear.scatter [tilespmem:s14], [sflag:$0x9], $0x80, $0x38;
	[tilespmem:$0xC600] =	vst v63  }
0xd7: {  	s8 =	rddreg [dreg:$0x7];
	s14 =	sadd.s32 $0x84A8, s10;
	s15 =	sadd.s32 $0x50, s12  }
0xd8: {  	[hbm4b:s15+s3] =	stream.linear.scatter [tilespmem:s14], [sflag:$0x9], $0x80, $0x38;
	[tilespmem:$0xC600] =	vst v63  }
0xd9: {  	s8 =	sadd.s32 @!p0 s8, s0;
	s14 =	sadd.s32 $0x8530, s10;
	s15 =	sadd.s32 $0x60, s12  }
0xda: {  	[hbm4b:s15+s3] =	stream.linear.scatter [tilespmem:s14], [sflag:$0x9], $0x80, $0x38;
	[tilespmem:$0xC600] =	vst v63  }
0xdb: {  	s13 =	sadd.s32 $0x85B8, s10;
	s8 =	sshrl.u32 @!p0 s8, $0x3;
	s14 =	sadd.s32 $0x70, s12  }
0xdc: {  	[hbm4b:s14+s3] =	stream.linear.scatter [tilespmem:s13], [sflag:$0x9], $0x80, $0x38;
	[tilespmem:$0xC600] =	vst v63  }
0xdd: {  	s8 =	sadd.s32 @!p0 s5, s8;
	s10 =	simm.s32 @!p0 $0x0  }
0xde: {  	[tilespmem:s10], [sflag:$0x1] =	stream.linear.gather @!p0 [hbm4b:s8+s10], $0x80, $0x38;
	[tilespmem:$0xC600] =	vst v63  }
0xdf: {  	_ =	swait.ge [sflag:s7], $0x1000  }
0xe0: {  	[sflag:s7] =	ssyncset.done $0x0  }
0xe1: {  	[sflag:s7] =	ssyncadd.s32 $0xFFFFF000  }
0xe2: {  	_ =	swait.ge [sflag:s7], $0x1000  }
0xe3: {  	[sflag:s7] =	ssyncset.done $0x0  }
0xe4: {  	s8 =	simm.s32 @!p1 $0xA;
	[sflag:s7] =	ssyncadd.s32 $0xFFFFF000  }
0xe5: {  	s15 =	simm.s32 $0x0;
	_ =	swait.ge @!p1 [sflag:s8], $0x2000  }
0xe6: {  	v4 =	vmov s15;
	[sflag:s8] =	ssyncset.done @!p1 $0x0  }
0xe7: {  	v4 =	vand.u32 $0x7C, v4;
	s10 =	simm.s32 $0x1240;
	[sflag:s8] =	ssyncadd.s32 @!p1 $0xFFFFE000  }
0xe8: {  	v6 =	vadd.s32 v0, v4;
	v5 =	vld [tilespmem:s10+$0xFFFFFFC0]  }
0xe9: {  	s15 =	simm.s32 $0x5240;
	v8 =	vadd.s32 v1, v4;
	v7 =	vld [tilespmem:s10+$0xFFFFFFD0]  }
0xea: {  	v10 =	vadd.s32 v2, v4;
	v9 =	vld [tilespmem:s15+$0xFFFFFFC0]  }
0xeb: {  	v4 =	vadd.s32 v3, v4;
	v11 =	vld [tilespmem:s15+$0xFFFFFFD0];
	_ =	sdelay $0x1  }
0xec: {  	[tilespmem:v6+s1+$0x0] =	vst.idx.msk $0xffff, v5  }
0xed: {  	s12 =	simm.s32 $0x1;
	[tilespmem:v8+s1+$0x0] =	vst.idx.msk $0xffff, v7  }
0xee: {  	v5 =	vmov s12;
	[tilespmem:v10+s1+$0x0] =	vst.idx.msk $0xffff, v9  }
0xef: {  	[tilespmem:v4+s1+$0x0] =	vst.idx.msk $0xffff, v11;
	v4 =	vand.u32 $0x7D, v5  }
0xf0: {  	v5 =	vld [tilespmem:s10+$0xFFFFFFE0];
	v6 =	vadd.s32 v0, v4  }
0xf1: {  	v7 =	vld [tilespmem:s10+$0xFFFFFFF0];
	v8 =	vadd.s32 v1, v4  }
0xf2: {  	v9 =	vld [tilespmem:s15+$0xFFFFFFE0];
	v60 =	vadd.s32 v2, v4  }
0xf3: {  	v11 =	vld [tilespmem:s15+$0xFFFFFFF0];
	v4 =	vadd.s32 v3, v4;
	_ =	sdelay $0x1  }
0xf4: {  	[tilespmem:v6+s1+$0x0] =	vst.idx.msk $0xffff, v5  }
0xf5: {  	s13 =	simm.s32 $0x2;
	[tilespmem:v8+s1+$0x0] =	vst.idx.msk $0xffff, v7  }
0xf6: {  	v5 =	vmov s13;
	[tilespmem:v60+s1+$0x0] =	vst.idx.msk $0xffff, v9  }
0xf7: {  	[tilespmem:v4+s1+$0x0] =	vst.idx.msk $0xffff, v11;
	v4 =	vand.u32 $0x7E, v5  }
0xf8: {  	v5 =	vld [tilespmem:s10+$0x0];
	v6 =	vadd.s32 v0, v4  }
0xf9: {  	v7 =	vld [tilespmem:s10+$0x10];
	v8 =	vadd.s32 v1, v4  }
0xfa: {  	v9 =	vld [tilespmem:s15+$0x0];
	v61 =	vadd.s32 v2, v4  }
0xfb: {  	v11 =	vld [tilespmem:s15+$0x10];
	v4 =	vadd.s32 v3, v4;
	_ =	sdelay $0x1  }
0xfc: {  	[tilespmem:v6+s1+$0x0] =	vst.idx.msk $0xffff, v5  }
0xfd: {  	s14 =	simm.s32 $0x3;
	[tilespmem:v8+s1+$0x0] =	vst.idx.msk $0xffff, v7  }
0xfe: {  	v5 =	vmov s14;
	[tilespmem:v61+s1+$0x0] =	vst.idx.msk $0xffff, v9  }
0xff: {  	v5 =	vand.u32 $0x7F, v5;
	[tilespmem:v4+s1+$0x0] =	vst.idx.msk $0xffff, v11  }
0x100: {  	v7 =	vadd.s32 v0, v5;
	v6 =	vld [tilespmem:s10+$0x20]  }
0x101: {  	v62 =	vadd.s32 v1, v5;
	v8 =	vld [tilespmem:s10+$0x30]  }
0x102: {  	v63 =	vadd.s32 v2, v5;
	v10 =	vld [tilespmem:s15+$0x20];
	_ =	sdelay $0x1  }
0x103: {  	v5 =	vadd.s32 v3, v5;
	v4 =	vld [tilespmem:s15+$0x30]  }
0x104: {  	[tilespmem:v7+s1+$0x0] =	vst.idx.msk $0xffff, v6  }
0x105: {  	s12 =	simm.s32 $0x4;
	[tilespmem:v62+s1+$0x0] =	vst.idx.msk $0xffff, v8  }
0x106: {  	s13 =	simm.s32 $0x8;
	v6 =	vmov s12;
	[tilespmem:v63+s1+$0x0] =	vst.idx.msk $0xffff, v10  }
.LBB2_7:
0x107: {  	s10 =	sadd.s32 $0x80, s10  }
0x108: {  	v6 =	vand.u32 $0x7C, v6;
	[tilespmem:v5+s1+$0x0] =	vst.idx.msk $0xffff, v4;
	s15 =	sadd.s32 $0x80, s15;
	s8 =	smov.u32 s13;
	s14 =	sadd.s32 $0x4, s13  }
0x109: {  	p1 =	sne.s32 s13, $0x7C;
	v4 =	vld [tilespmem:s10+$0xFFFFFFC0];
	v5 =	vadd.s32 v0, v6  }
0x10a: {  	v8 =	vadd.s32 v1, v6;
	v7 =	vld [tilespmem:s10+$0xFFFFFFD0]  }
0x10b: {  	v10 =	vadd.s32 v2, v6;
	v9 =	vld [tilespmem:s15+$0xFFFFFFC0]  }
0x10c: {  	v6 =	vadd.s32 v3, v6;
	v11 =	vld [tilespmem:s15+$0xFFFFFFD0];
	_ =	sdelay $0x1  }
0x10d: {  	[tilespmem:v5+s1+$0x0] =	vst.idx.msk $0xffff, v4  }
0x10e: {  	s13 =	sadd.s32 $0x1, s12;
	[tilespmem:v8+s1+$0x0] =	vst.idx.msk $0xffff, v7  }
0x10f: {  	v4 =	vmov s13;
	[tilespmem:v10+s1+$0x0] =	vst.idx.msk $0xffff, v9  }
0x110: {  	v4 =	vand.u32 $0x7D, v4;
	[tilespmem:v6+s1+$0x0] =	vst.idx.msk $0xffff, v11  }
0x111: {  	v6 =	vadd.s32 v0, v4;
	v5 =	vld [tilespmem:s10+$0xFFFFFFE0]  }
0x112: {  	v8 =	vadd.s32 v1, v4;
	v7 =	vld [tilespmem:s10+$0xFFFFFFF0]  }
0x113: {  	v10 =	vadd.s32 v2, v4;
	v9 =	vld [tilespmem:s15+$0xFFFFFFE0]  }
0x114: {  	v4 =	vadd.s32 v3, v4;
	v11 =	vld [tilespmem:s15+$0xFFFFFFF0];
	_ =	sdelay $0x1  }
0x115: {  	[tilespmem:v6+s1+$0x0] =	vst.idx.msk $0xffff, v5  }
0x116: {  	s13 =	sadd.s32 $0x2, s12;
	[tilespmem:v8+s1+$0x0] =	vst.idx.msk $0xffff, v7  }
0x117: {  	v5 =	vmov s13;
	[tilespmem:v10+s1+$0x0] =	vst.idx.msk $0xffff, v9  }
0x118: {  	[tilespmem:v4+s1+$0x0] =	vst.idx.msk $0xffff, v11;
	v4 =	vand.u32 $0x7E, v5  }
0x119: {  	v5 =	vld [tilespmem:s10+$0x0];
	v6 =	vadd.s32 v0, v4  }
0x11a: {  	v8 =	vadd.s32 v1, v4;
	v7 =	vld [tilespmem:s10+$0x10]  }
0x11b: {  	v10 =	vadd.s32 v2, v4;
	v9 =	vld [tilespmem:s15+$0x0]  }
0x11c: {  	v4 =	vadd.s32 v3, v4;
	v11 =	vld [tilespmem:s15+$0x10];
	_ =	sdelay $0x1  }
0x11d: {  	[tilespmem:v6+s1+$0x0] =	vst.idx.msk $0xffff, v5  }
0x11e: {  	s13 =	sadd.s32 $0x3, s12;
	s12 =	smov.u32 s8;
	[tilespmem:v8+s1+$0x0] =	vst.idx.msk $0xffff, v7  }
0x11f: {  	v5 =	vmov s13;
	[tilespmem:v10+s1+$0x0] =	vst.idx.msk $0xffff, v9  }
0x120: {  	v5 =	vand.u32 $0x7F, v5;
	[tilespmem:v4+s1+$0x0] =	vst.idx.msk $0xffff, v11  }
0x121: {  	v7 =	vadd.s32 v0, v5;
	v6 =	vld [tilespmem:s10+$0x20]  }
0x122: {  	v9 =	vadd.s32 v1, v5;
	v8 =	vld [tilespmem:s10+$0x30]  }
0x123: {  	v11 =	vadd.s32 v2, v5;
	v10 =	vld [tilespmem:s15+$0x20]  }
.Ltmp4:
0x124: {  	v5 =	vadd.s32 v3, v5;
	v4 =	vld [tilespmem:s15+$0x30];
	(pc) =	sbr.rel @p1 .LBB2_7-.Ltmp4, $4  }
0x125: {  	_ = 	snop  }
0x126: {  	[tilespmem:v7+s1+$0x0] =	vst.idx.msk $0xffff, v6  }
0x127: {  	[tilespmem:v9+s1+$0x0] =	vst.idx.msk $0xffff, v8  }
0x128: {  	s13 =	smov.u32 s14;
	v6 =	vmov s12;
	[tilespmem:v11+s1+$0x0] =	vst.idx.msk $0xffff, v10  }
0x129: {  	_ =	sdelay $0x3  }
0x12a: {  	v6 =	vand.u32 $0x7C, v6;
	[tilespmem:v5+s1+$0x0] =	vst.idx.msk $0xffff, v4;
	s8 =	sadd.s32 $0x80, s10  }
0x12b: {  	v4 =	vld [tilespmem:s8+$0xFFFFFFC0];
	v5 =	vadd.s32 v0, v6  }
0x12c: {  	s14 =	sadd.s32 $0x80, s15;
	v7 =	vld [tilespmem:s8+$0xFFFFFFD0];
	v8 =	vadd.s32 v1, v6  }
0x12d: {  	v9 =	vld [tilespmem:s14+$0xFFFFFFC0];
	v10 =	vadd.s32 v2, v6  }
0x12e: {  	v11 =	vld [tilespmem:s14+$0xFFFFFFD0];
	v6 =	vadd.s32 v3, v6;
	_ =	sdelay $0x1  }
0x12f: {  	[tilespmem:v5+s1+$0x0] =	vst.idx.msk $0xffff, v4  }
0x130: {  	s13 =	sadd.s32 $0x1, s12;
	[tilespmem:v8+s1+$0x0] =	vst.idx.msk $0xffff, v7  }
0x131: {  	v4 =	vmov s13;
	[tilespmem:v10+s1+$0x0] =	vst.idx.msk $0xffff, v9  }
0x132: {  	v4 =	vand.u32 $0x7D, v4;
	[tilespmem:v6+s1+$0x0] =	vst.idx.msk $0xffff, v11  }
0x133: {  	v55 =	vadd.s32 v0, v4;
	v5 =	vld [tilespmem:s8+$0xFFFFFFE0]  }
0x134: {  	v56 =	vadd.s32 v1, v4;
	v7 =	vld [tilespmem:s8+$0xFFFFFFF0]  }
0x135: {  	v57 =	vadd.s32 v2, v4;
	v9 =	vld [tilespmem:s14+$0xFFFFFFE0]  }
0x136: {  	v4 =	vadd.s32 v3, v4;
	v11 =	vld [tilespmem:s14+$0xFFFFFFF0];
	_ =	sdelay $0x1  }
0x137: {  	[tilespmem:v55+s1+$0x0] =	vst.idx.msk $0xffff, v5  }
0x138: {  	s15 =	sadd.s32 $0x2, s12;
	[tilespmem:v56+s1+$0x0] =	vst.idx.msk $0xffff, v7  }
0x139: {  	v5 =	vmov s15;
	[tilespmem:v57+s1+$0x0] =	vst.idx.msk $0xffff, v9  }
0x13a: {  	[tilespmem:v4+s1+$0x0] =	vst.idx.msk $0xffff, v11;
	v4 =	vand.u32 $0x7E, v5  }
0x13b: {  	v5 =	vld [tilespmem:s8+$0x0];
	v58 =	vadd.s32 v0, v4  }
0x13c: {  	v7 =	vld [tilespmem:s8+$0x10];
	v59 =	vadd.s32 v1, v4  }
0x13d: {  	v9 =	vld [tilespmem:s14+$0x0];
	v60 =	vadd.s32 v2, v4  }
0x13e: {  	v11 =	vld [tilespmem:s14+$0x10];
	v4 =	vadd.s32 v3, v4;
	_ =	sdelay $0x1  }
0x13f: {  	[tilespmem:v58+s1+$0x0] =	vst.idx.msk $0xffff, v5  }
0x140: {  	s13 =	sadd.s32 $0x3, s12;
	[tilespmem:v59+s1+$0x0] =	vst.idx.msk $0xffff, v7  }
0x141: {  	v5 =	vmov s13;
	[tilespmem:v60+s1+$0x0] =	vst.idx.msk $0xffff, v9  }
0x142: {  	[tilespmem:v4+s1+$0x0] =	vst.idx.msk $0xffff, v11;
	v4 =	vand.u32 $0x7F, v5  }
0x143: {  	v5 =	vld [tilespmem:s8+$0x20];
	v61 =	vadd.s32 v0, v4  }
0x144: {  	v7 =	vld [tilespmem:s8+$0x30];
	v62 =	vadd.s32 v1, v4  }
0x145: {  	v9 =	vld [tilespmem:s14+$0x20];
	v63 =	vadd.s32 v2, v4  }
0x146: {  	v11 =	vld [tilespmem:s14+$0x30];
	v4 =	vadd.s32 v3, v4;
	_ =	sdelay $0x1  }
0x147: {  	[tilespmem:v61+s1+$0x0] =	vst.idx.msk $0xffff, v5  }
0x148: {  	[tilespmem:v62+s1+$0x0] =	vst.idx.msk $0xffff, v7  }
0x149: {  	s14 =	rddreg [dreg:$0xb];
	[tilespmem:v63+s1+$0x0] =	vst.idx.msk $0xffff, v9  }
0x14a: {  	s15 =	simm.s32 $0xA400;
	s12 =	sadd.s32 s9, s14;
	[tilespmem:v4+s1+$0x0] =	vst.idx.msk $0xffff, v11  }
0x14b: {  	[hbm4b:s12+s3] =	stream.linear.scatter [tilespmem:s15], [sflag:$0xA], $0x80, $0x38;
	[tilespmem:$0xC600] =	vst v63  }
0x14c: {  	s10 =	simm.s32 $0xA488;
	s13 =	sadd.s32 $0x10, s12  }
0x14d: {  	[hbm4b:s13+s3] =	stream.linear.scatter [tilespmem:s10], [sflag:$0xA], $0x80, $0x38;
	[tilespmem:$0xC600] =	vst v63  }
0x14e: {  	s14 =	simm.s32 $0xA510;
	s15 =	sadd.s32 $0x20, s12  }
0x14f: {  	[hbm4b:s15+s3] =	stream.linear.scatter [tilespmem:s14], [sflag:$0xA], $0x80, $0x38;
	[tilespmem:$0xC600] =	vst v63  }
0x150: {  	s10 =	simm.s32 $0xA598;
	s13 =	sadd.s32 $0x30, s12  }
0x151: {  	[hbm4b:s13+s3] =	stream.linear.scatter [tilespmem:s10], [sflag:$0xA], $0x80, $0x38;
	[tilespmem:$0xC600] =	vst v63  }
0x152: {  	s14 =	simm.s32 $0xA620;
	s15 =	sadd.s32 $0x40, s12  }
0x153: {  	[hbm4b:s15+s3] =	stream.linear.scatter [tilespmem:s14], [sflag:$0xA], $0x80, $0x38;
	[tilespmem:$0xC600] =	vst v63  }
0x154: {  	s8 =	simm.s32 $0x2200;
	s10 =	simm.s32 $0xA6A8;
	s13 =	sadd.s32 $0x50, s12  }
0x155: {  	[hbm4b:s13+s3] =	stream.linear.scatter [tilespmem:s10], [sflag:$0xA], $0x80, $0x38;
	[tilespmem:$0xC600] =	vst v63  }
0x156: {  	s14 =	simm.s32 $0xA730;
	s15 =	sadd.s32 $0x60, s12;
	s10 =	simm.s32 $0x440  }
0x157: {  	[hbm4b:s15+s3] =	stream.linear.scatter [tilespmem:s14], [sflag:$0xA], $0x80, $0x38;
	[tilespmem:$0xC600] =	vst v63  }
0x158: {  	s13 =	simm.s32 $0xA7B8;
	s14 =	sadd.s32 $0x70, s12;
	s12 =	sadd.s32 $0x1000, s12  }
.LBB2_9:
0x159: {  	[hbm4b:s14+s3] =	stream.linear.scatter [tilespmem:s13], [sflag:$0xA], $0x80, $0x38;
	[tilespmem:$0xC600] =	vst v63  }
0x15a: {  	s13 =	smov.u32 s10;
	s10 =	smov.u32 s8  }
0x15b: {  	s15 =	sadd.s32 $0x1100, s8;
	s10 =	sshra.s32 s10, $0x2;
	s14 =	sadd.s32 $0xA400, s13  }
0x15c: {  	[hbm4b:s12+s3] =	stream.linear.scatter [tilespmem:s14], [sflag:$0xA], $0x80, $0x38;
	[tilespmem:$0xC600] =	vst v63  }
0x15d: {  	p1 =	sne.s32 s8, $0x7700;
	s8 =	sadd.s32 $0xA488, s13;
	s14 =	sadd.s32 $0x10, s12  }
0x15e: {  	[hbm4b:s14+s3] =	stream.linear.scatter [tilespmem:s8], [sflag:$0xA], $0x80, $0x38;
	[tilespmem:$0xC600] =	vst v63  }
0x15f: {  	s8 =	sadd.s32 $0xA510, s13;
	s14 =	sadd.s32 $0x20, s12  }
0x160: {  	[hbm4b:s14+s3] =	stream.linear.scatter [tilespmem:s8], [sflag:$0xA], $0x80, $0x38;
	[tilespmem:$0xC600] =	vst v63  }
0x161: {  	s8 =	sadd.s32 $0xA598, s13;
	s14 =	sadd.s32 $0x30, s12  }
0x162: {  	[hbm4b:s14+s3] =	stream.linear.scatter [tilespmem:s8], [sflag:$0xA], $0x80, $0x38;
	[tilespmem:$0xC600] =	vst v63  }
0x163: {  	s8 =	sadd.s32 $0xA620, s13;
	s14 =	sadd.s32 $0x40, s12  }
0x164: {  	[hbm4b:s14+s3] =	stream.linear.scatter [tilespmem:s8], [sflag:$0xA], $0x80, $0x38;
	[tilespmem:$0xC600] =	vst v63  }
.Ltmp5:
0x165: {  	s8 =	sadd.s32 $0xA6A8, s13;
	s14 =	sadd.s32 $0x50, s12;
	(pc) =	sbr.rel @p1 .LBB2_9-.Ltmp5, $4  }
0x166: {  	[hbm4b:s14+s3] =	stream.linear.scatter [tilespmem:s8], [sflag:$0xA], $0x80, $0x38;
	[tilespmem:$0xC600] =	vst v63  }
0x167: {  	s8 =	sadd.s32 $0xA730, s13;
	s14 =	sadd.s32 $0x60, s12;
	s13 =	sadd.s32 $0xA7B8, s13  }
0x168: {  	[hbm4b:s14+s3] =	stream.linear.scatter [tilespmem:s8], [sflag:$0xA], $0x80, $0x38;
	[tilespmem:$0xC600] =	vst v63  }
0x169: {  	s14 =	sadd.s32 $0x70, s12;
	s12 =	sadd.s32 $0x1000, s12;
	s8 =	smov.u32 s15  }
0x16a: {  	[hbm4b:s14+s3] =	stream.linear.scatter [tilespmem:s13], [sflag:$0xA], $0x80, $0x38;
	[tilespmem:$0xC600] =	vst v63  }
0x16b: {  	s8 =	sadd.s32 $0xA400, s10  }
0x16c: {  	[hbm4b:s12+s3] =	stream.linear.scatter [tilespmem:s8], [sflag:$0xA], $0x80, $0x38;
	[tilespmem:$0xC600] =	vst v63  }
0x16d: {  	s14 =	sadd.s32 $0xA488, s10;
	s15 =	sadd.s32 $0x10, s12  }
0x16e: {  	[hbm4b:s15+s3] =	stream.linear.scatter [tilespmem:s14], [sflag:$0xA], $0x80, $0x38;
	[tilespmem:$0xC600] =	vst v63  }
0x16f: {  	s14 =	sadd.s32 $0xA510, s10;
	s15 =	sadd.s32 $0x20, s12  }
0x170: {  	[hbm4b:s15+s3] =	stream.linear.scatter [tilespmem:s14], [sflag:$0xA], $0x80, $0x38;
	[tilespmem:$0xC600] =	vst v63  }
0x171: {  	s14 =	sadd.s32 $0xA598, s10;
	s15 =	sadd.s32 $0x30, s12  }
0x172: {  	[hbm4b:s15+s3] =	stream.linear.scatter [tilespmem:s14], [sflag:$0xA], $0x80, $0x38;
	[tilespmem:$0xC600] =	vst v63  }
0x173: {  	s14 =	sadd.s32 $0xA620, s10;
	s15 =	sadd.s32 $0x40, s12  }
0x174: {  	[hbm4b:s15+s3] =	stream.linear.scatter [tilespmem:s14], [sflag:$0xA], $0x80, $0x38;
	[tilespmem:$0xC600] =	vst v63  }
0x175: {  	s8 =	rddreg [dreg:$0x8];
	s14 =	sadd.s32 $0xA6A8, s10;
	s15 =	sadd.s32 $0x50, s12  }
0x176: {  	[hbm4b:s15+s3] =	stream.linear.scatter [tilespmem:s14], [sflag:$0xA], $0x80, $0x38;
	[tilespmem:$0xC600] =	vst v63  }
0x177: {  	s8 =	sadd.s32 @!p0 s8, s0;
	s14 =	sadd.s32 $0xA730, s10;
	s15 =	sadd.s32 $0x60, s12  }
0x178: {  	[hbm4b:s15+s3] =	stream.linear.scatter [tilespmem:s14], [sflag:$0xA], $0x80, $0x38;
	[tilespmem:$0xC600] =	vst v63  }
0x179: {  	s8 =	sshrl.u32 @!p0 s8, $0x3;
	s14 =	sadd.s32 $0xA7B8, s10;
	s15 =	sadd.s32 $0x70, s12  }
0x17a: {  	[hbm4b:s15+s3] =	stream.linear.scatter [tilespmem:s14], [sflag:$0xA], $0x80, $0x38;
	[tilespmem:$0xC600] =	vst v63  }
0x17b: {  	s8 =	sadd.s32 @!p0 s5, s8;
	s10 =	simm.s32 @!p0 $0x0;
	s12 =	simm.s32 @!p0 $0x80  }
0x17c: {  	[tilespmem:s12], [sflag:$0x2] =	stream.linear.gather @!p0 [hbm4b:s8+s10], $0x80, $0x38;
	[tilespmem:$0xC600] =	vst v63  }
0x17d: {  	_ =	swait.ge [sflag:s24], $0x1000  }
0x17e: {  	[sflag:s24] =	ssyncset.done $0x0  }
0x17f: {  	[sflag:s24] =	ssyncadd.s32 $0xFFFFF000  }
0x180: {  	_ =	swait.ge [sflag:s24], $0x1000  }
0x181: {  	[sflag:s24] =	ssyncset.done $0x0  }
0x182: {  	[sflag:s24] =	ssyncadd.s32 $0xFFFFF000  }
0x183: {  	s10 =	simm.s32 $0x0;
	_ =	swait.ge [sflag:s25], $0x2000  }
0x184: {  	v4 =	vmov s10;
	[sflag:s25] =	ssyncset.done $0x0  }
0x185: {  	s10 =	simm.s32 $0x2240;
	v4 =	vand.u32 $0x7C, v4;
	[sflag:s25] =	ssyncadd.s32 $0xFFFFE000  }
0x186: {  	v6 =	vadd.s32 v0, v4;
	v5 =	vld [tilespmem:s10+$0xFFFFFFC0]  }
0x187: {  	s15 =	simm.s32 $0x6240;
	v8 =	vadd.s32 v1, v4;
	v7 =	vld [tilespmem:s10+$0xFFFFFFD0]  }
0x188: {  	v10 =	vadd.s32 v2, v4;
	v9 =	vld [tilespmem:s15+$0xFFFFFFC0]  }
0x189: {  	v4 =	vadd.s32 v3, v4;
	v11 =	vld [tilespmem:s15+$0xFFFFFFD0];
	_ =	sdelay $0x1  }
0x18a: {  	[tilespmem:v6+s19+$0x0] =	vst.idx.msk $0xffff, v5  }
0x18b: {  	s12 =	simm.s32 $0x1;
	[tilespmem:v8+s19+$0x0] =	vst.idx.msk $0xffff, v7  }
0x18c: {  	v5 =	vmov s12;
	[tilespmem:v10+s19+$0x0] =	vst.idx.msk $0xffff, v9  }
0x18d: {  	[tilespmem:v4+s19+$0x0] =	vst.idx.msk $0xffff, v11;
	v4 =	vand.u32 $0x7D, v5  }
0x18e: {  	v5 =	vld [tilespmem:s10+$0xFFFFFFE0];
	v6 =	vadd.s32 v0, v4  }
0x18f: {  	v7 =	vld [tilespmem:s10+$0xFFFFFFF0];
	v8 =	vadd.s32 v1, v4  }
0x190: {  	v9 =	vld [tilespmem:s15+$0xFFFFFFE0];
	v60 =	vadd.s32 v2, v4  }
0x191: {  	v11 =	vld [tilespmem:s15+$0xFFFFFFF0];
	v4 =	vadd.s32 v3, v4;
	_ =	sdelay $0x1  }
0x192: {  	[tilespmem:v6+s19+$0x0] =	vst.idx.msk $0xffff, v5  }
0x193: {  	s13 =	simm.s32 $0x2;
	[tilespmem:v8+s19+$0x0] =	vst.idx.msk $0xffff, v7  }
0x194: {  	v5 =	vmov s13;
	[tilespmem:v60+s19+$0x0] =	vst.idx.msk $0xffff, v9  }
0x195: {  	[tilespmem:v4+s19+$0x0] =	vst.idx.msk $0xffff, v11;
	v4 =	vand.u32 $0x7E, v5  }
0x196: {  	v5 =	vld [tilespmem:s10+$0x0];
	v6 =	vadd.s32 v0, v4  }
0x197: {  	v7 =	vld [tilespmem:s10+$0x10];
	v8 =	vadd.s32 v1, v4  }
0x198: {  	v9 =	vld [tilespmem:s15+$0x0];
	v61 =	vadd.s32 v2, v4  }
0x199: {  	v11 =	vld [tilespmem:s15+$0x10];
	v4 =	vadd.s32 v3, v4;
	_ =	sdelay $0x1  }
0x19a: {  	[tilespmem:v6+s19+$0x0] =	vst.idx.msk $0xffff, v5  }
0x19b: {  	s14 =	simm.s32 $0x3;
	[tilespmem:v8+s19+$0x0] =	vst.idx.msk $0xffff, v7  }
0x19c: {  	v5 =	vmov s14;
	[tilespmem:v61+s19+$0x0] =	vst.idx.msk $0xffff, v9  }
0x19d: {  	v5 =	vand.u32 $0x7F, v5;
	[tilespmem:v4+s19+$0x0] =	vst.idx.msk $0xffff, v11  }
0x19e: {  	v7 =	vadd.s32 v0, v5;
	v6 =	vld [tilespmem:s10+$0x20]  }
0x19f: {  	v62 =	vadd.s32 v1, v5;
	v8 =	vld [tilespmem:s10+$0x30]  }
0x1a0: {  	v63 =	vadd.s32 v2, v5;
	v10 =	vld [tilespmem:s15+$0x20];
	_ =	sdelay $0x1  }
0x1a1: {  	v5 =	vadd.s32 v3, v5;
	v4 =	vld [tilespmem:s15+$0x30]  }
0x1a2: {  	[tilespmem:v7+s19+$0x0] =	vst.idx.msk $0xffff, v6  }
0x1a3: {  	s12 =	simm.s32 $0x4;
	[tilespmem:v62+s19+$0x0] =	vst.idx.msk $0xffff, v8  }
0x1a4: {  	s14 =	simm.s32 $0x8;
	v6 =	vmov s12;
	[tilespmem:v63+s19+$0x0] =	vst.idx.msk $0xffff, v10  }
.LBB2_11:
0x1a5: {  	s10 =	sadd.s32 $0x80, s10  }
0x1a6: {  	v6 =	vand.u32 $0x7C, v6;
	[tilespmem:v5+s19+$0x0] =	vst.idx.msk $0xffff, v4;
	s15 =	sadd.s32 $0x80, s15;
	s8 =	smov.u32 s14;
	s13 =	sadd.s32 $0x4, s14  }
0x1a7: {  	p1 =	sne.s32 s14, $0x7C;
	v4 =	vld [tilespmem:s10+$0xFFFFFFC0];
	v5 =	vadd.s32 v0, v6  }
0x1a8: {  	v8 =	vadd.s32 v1, v6;
	v7 =	vld [tilespmem:s10+$0xFFFFFFD0]  }
0x1a9: {  	v10 =	vadd.s32 v2, v6;
	v9 =	vld [tilespmem:s15+$0xFFFFFFC0]  }
0x1aa: {  	v6 =	vadd.s32 v3, v6;
	v11 =	vld [tilespmem:s15+$0xFFFFFFD0];
	_ =	sdelay $0x1  }
0x1ab: {  	[tilespmem:v5+s19+$0x0] =	vst.idx.msk $0xffff, v4  }
0x1ac: {  	s14 =	sadd.s32 $0x1, s12;
	[tilespmem:v8+s19+$0x0] =	vst.idx.msk $0xffff, v7  }
0x1ad: {  	v4 =	vmov s14;
	[tilespmem:v10+s19+$0x0] =	vst.idx.msk $0xffff, v9  }
0x1ae: {  	v4 =	vand.u32 $0x7D, v4;
	[tilespmem:v6+s19+$0x0] =	vst.idx.msk $0xffff, v11  }
0x1af: {  	v6 =	vadd.s32 v0, v4;
	v5 =	vld [tilespmem:s10+$0xFFFFFFE0]  }
0x1b0: {  	v8 =	vadd.s32 v1, v4;
	v7 =	vld [tilespmem:s10+$0xFFFFFFF0]  }
0x1b1: {  	v10 =	vadd.s32 v2, v4;
	v9 =	vld [tilespmem:s15+$0xFFFFFFE0]  }
0x1b2: {  	v4 =	vadd.s32 v3, v4;
	v11 =	vld [tilespmem:s15+$0xFFFFFFF0];
	_ =	sdelay $0x1  }
0x1b3: {  	[tilespmem:v6+s19+$0x0] =	vst.idx.msk $0xffff, v5  }
0x1b4: {  	s14 =	sadd.s32 $0x2, s12;
	[tilespmem:v8+s19+$0x0] =	vst.idx.msk $0xffff, v7  }
0x1b5: {  	v5 =	vmov s14;
	[tilespmem:v10+s19+$0x0] =	vst.idx.msk $0xffff, v9  }
0x1b6: {  	[tilespmem:v4+s19+$0x0] =	vst.idx.msk $0xffff, v11;
	v4 =	vand.u32 $0x7E, v5  }
0x1b7: {  	v5 =	vld [tilespmem:s10+$0x0];
	v6 =	vadd.s32 v0, v4  }
0x1b8: {  	v8 =	vadd.s32 v1, v4;
	v7 =	vld [tilespmem:s10+$0x10]  }
0x1b9: {  	v10 =	vadd.s32 v2, v4;
	v9 =	vld [tilespmem:s15+$0x0]  }
0x1ba: {  	v4 =	vadd.s32 v3, v4;
	v11 =	vld [tilespmem:s15+$0x10];
	_ =	sdelay $0x1  }
0x1bb: {  	[tilespmem:v6+s19+$0x0] =	vst.idx.msk $0xffff, v5  }
0x1bc: {  	s14 =	sadd.s32 $0x3, s12;
	s12 =	smov.u32 s8;
	[tilespmem:v8+s19+$0x0] =	vst.idx.msk $0xffff, v7  }
0x1bd: {  	v5 =	vmov s14;
	[tilespmem:v10+s19+$0x0] =	vst.idx.msk $0xffff, v9  }
0x1be: {  	v5 =	vand.u32 $0x7F, v5;
	[tilespmem:v4+s19+$0x0] =	vst.idx.msk $0xffff, v11  }
0x1bf: {  	v7 =	vadd.s32 v0, v5;
	v6 =	vld [tilespmem:s10+$0x20]  }
0x1c0: {  	v9 =	vadd.s32 v1, v5;
	v8 =	vld [tilespmem:s10+$0x30]  }
0x1c1: {  	v11 =	vadd.s32 v2, v5;
	v10 =	vld [tilespmem:s15+$0x20]  }
.Ltmp6:
0x1c2: {  	v5 =	vadd.s32 v3, v5;
	v4 =	vld [tilespmem:s15+$0x30];
	(pc) =	sbr.rel @p1 .LBB2_11-.Ltmp6, $4  }
0x1c3: {  	_ = 	snop  }
0x1c4: {  	[tilespmem:v7+s19+$0x0] =	vst.idx.msk $0xffff, v6  }
0x1c5: {  	[tilespmem:v9+s19+$0x0] =	vst.idx.msk $0xffff, v8  }
0x1c6: {  	s14 =	smov.u32 s13;
	v6 =	vmov s12;
	[tilespmem:v11+s19+$0x0] =	vst.idx.msk $0xffff, v10  }
0x1c7: {  	_ =	sdelay $0x3  }
0x1c8: {  	v6 =	vand.u32 $0x7C, v6;
	[tilespmem:v5+s19+$0x0] =	vst.idx.msk $0xffff, v4;
	s8 =	sadd.s32 $0x80, s10  }
0x1c9: {  	v4 =	vld [tilespmem:s8+$0xFFFFFFC0];
	v5 =	vadd.s32 v0, v6  }
0x1ca: {  	s10 =	sadd.s32 $0x80, s15;
	v7 =	vld [tilespmem:s8+$0xFFFFFFD0];
	v8 =	vadd.s32 v1, v6  }
0x1cb: {  	v9 =	vld [tilespmem:s10+$0xFFFFFFC0];
	v10 =	vadd.s32 v2, v6  }
0x1cc: {  	v11 =	vld [tilespmem:s10+$0xFFFFFFD0];
	v6 =	vadd.s32 v3, v6;
	_ =	sdelay $0x1  }
0x1cd: {  	[tilespmem:v5+s19+$0x0] =	vst.idx.msk $0xffff, v4  }
0x1ce: {  	s13 =	sadd.s32 $0x1, s12;
	[tilespmem:v8+s19+$0x0] =	vst.idx.msk $0xffff, v7  }
0x1cf: {  	v4 =	vmov s13;
	[tilespmem:v10+s19+$0x0] =	vst.idx.msk $0xffff, v9  }
0x1d0: {  	v4 =	vand.u32 $0x7D, v4;
	[tilespmem:v6+s19+$0x0] =	vst.idx.msk $0xffff, v11  }
0x1d1: {  	v55 =	vadd.s32 v0, v4;
	v5 =	vld [tilespmem:s8+$0xFFFFFFE0]  }
0x1d2: {  	v56 =	vadd.s32 v1, v4;
	v7 =	vld [tilespmem:s8+$0xFFFFFFF0]  }
0x1d3: {  	v57 =	vadd.s32 v2, v4;
	v9 =	vld [tilespmem:s10+$0xFFFFFFE0]  }
0x1d4: {  	v4 =	vadd.s32 v3, v4;
	v11 =	vld [tilespmem:s10+$0xFFFFFFF0];
	_ =	sdelay $0x1  }
0x1d5: {  	[tilespmem:v55+s19+$0x0] =	vst.idx.msk $0xffff, v5  }
0x1d6: {  	s15 =	sadd.s32 $0x2, s12;
	[tilespmem:v56+s19+$0x0] =	vst.idx.msk $0xffff, v7  }
0x1d7: {  	v5 =	vmov s15;
	[tilespmem:v57+s19+$0x0] =	vst.idx.msk $0xffff, v9  }
0x1d8: {  	[tilespmem:v4+s19+$0x0] =	vst.idx.msk $0xffff, v11;
	v4 =	vand.u32 $0x7E, v5  }
0x1d9: {  	v5 =	vld [tilespmem:s8+$0x0];
	v58 =	vadd.s32 v0, v4  }
0x1da: {  	v7 =	vld [tilespmem:s8+$0x10];
	v59 =	vadd.s32 v1, v4  }
0x1db: {  	v9 =	vld [tilespmem:s10+$0x0];
	v60 =	vadd.s32 v2, v4  }
0x1dc: {  	v11 =	vld [tilespmem:s10+$0x10];
	v4 =	vadd.s32 v3, v4;
	_ =	sdelay $0x1  }
0x1dd: {  	[tilespmem:v58+s19+$0x0] =	vst.idx.msk $0xffff, v5  }
0x1de: {  	s14 =	sadd.s32 $0x3, s12;
	[tilespmem:v59+s19+$0x0] =	vst.idx.msk $0xffff, v7  }
0x1df: {  	v5 =	vmov s14;
	[tilespmem:v60+s19+$0x0] =	vst.idx.msk $0xffff, v9  }
0x1e0: {  	[tilespmem:v4+s19+$0x0] =	vst.idx.msk $0xffff, v11;
	v4 =	vand.u32 $0x7F, v5  }
0x1e1: {  	v5 =	vld [tilespmem:s8+$0x20];
	v61 =	vadd.s32 v0, v4  }
0x1e2: {  	v7 =	vld [tilespmem:s8+$0x30];
	v62 =	vadd.s32 v1, v4  }
0x1e3: {  	v9 =	vld [tilespmem:s10+$0x20];
	v63 =	vadd.s32 v2, v4  }
0x1e4: {  	v11 =	vld [tilespmem:s10+$0x30];
	v4 =	vadd.s32 v3, v4;
	_ =	sdelay $0x1  }
0x1e5: {  	[tilespmem:v61+s19+$0x0] =	vst.idx.msk $0xffff, v5  }
0x1e6: {  	[tilespmem:v62+s19+$0x0] =	vst.idx.msk $0xffff, v7  }
0x1e7: {  	[tilespmem:v63+s19+$0x0] =	vst.idx.msk $0xffff, v9  }
0x1e8: {  	s12 =	sadd.s32 s9, s17;
	s15 =	simm.s32 $0x8200;
	[tilespmem:v4+s19+$0x0] =	vst.idx.msk $0xffff, v11  }
0x1e9: {  	[hbm4b:s12+s3] =	stream.linear.scatter [tilespmem:s15], [sflag:$0x9], $0x80, $0x38;
	[tilespmem:$0xC600] =	vst v63  }
0x1ea: {  	s13 =	sadd.s32 $0x10, s12;
	s10 =	simm.s32 $0x8288  }
0x1eb: {  	[hbm4b:s13+s3] =	stream.linear.scatter [tilespmem:s10], [sflag:$0x9], $0x80, $0x38;
	[tilespmem:$0xC600] =	vst v63  }
0x1ec: {  	s14 =	simm.s32 $0x8310;
	s15 =	sadd.s32 $0x20, s12  }
0x1ed: {  	[hbm4b:s15+s3] =	stream.linear.scatter [tilespmem:s14], [sflag:$0x9], $0x80, $0x38;
	[tilespmem:$0xC600] =	vst v63  }
0x1ee: {  	s10 =	simm.s32 $0x8398;
	s13 =	sadd.s32 $0x30, s12  }
0x1ef: {  	[hbm4b:s13+s3] =	stream.linear.scatter [tilespmem:s10], [sflag:$0x9], $0x80, $0x38;
	[tilespmem:$0xC600] =	vst v63  }
0x1f0: {  	s14 =	simm.s32 $0x8420;
	s15 =	sadd.s32 $0x40, s12  }
0x1f1: {  	[hbm4b:s15+s3] =	stream.linear.scatter [tilespmem:s14], [sflag:$0x9], $0x80, $0x38;
	[tilespmem:$0xC600] =	vst v63  }
0x1f2: {  	s8 =	simm.s32 $0x2200;
	s10 =	simm.s32 $0x84A8;
	s13 =	sadd.s32 $0x50, s12  }
0x1f3: {  	[hbm4b:s13+s3] =	stream.linear.scatter [tilespmem:s10], [sflag:$0x9], $0x80, $0x38;
	[tilespmem:$0xC600] =	vst v63  }
0x1f4: {  	s14 =	simm.s32 $0x8530;
	s15 =	sadd.s32 $0x60, s12;
	s10 =	simm.s32 $0x440  }
0x1f5: {  	[hbm4b:s15+s3] =	stream.linear.scatter [tilespmem:s14], [sflag:$0x9], $0x80, $0x38;
	[tilespmem:$0xC600] =	vst v63  }
0x1f6: {  	s13 =	simm.s32 $0x85B8;
	s14 =	sadd.s32 $0x70, s12;
	s12 =	sadd.s32 $0x1000, s12  }
.LBB2_13:
0x1f7: {  	[hbm4b:s14+s3] =	stream.linear.scatter [tilespmem:s13], [sflag:$0x9], $0x80, $0x38;
	[tilespmem:$0xC600] =	vst v63  }
0x1f8: {  	s13 =	smov.u32 s10;
	s10 =	smov.u32 s8  }
0x1f9: {  	s15 =	sadd.s32 $0x1100, s8;
	s10 =	sshra.s32 s10, $0x2;
	s14 =	sadd.s32 $0x8200, s13  }
0x1fa: {  	[hbm4b:s12+s3] =	stream.linear.scatter [tilespmem:s14], [sflag:$0x9], $0x80, $0x38;
	[tilespmem:$0xC600] =	vst v63  }
0x1fb: {  	p1 =	sne.s32 s8, $0x7700;
	s8 =	sadd.s32 $0x8288, s13;
	s14 =	sadd.s32 $0x10, s12  }
0x1fc: {  	[hbm4b:s14+s3] =	stream.linear.scatter [tilespmem:s8], [sflag:$0x9], $0x80, $0x38;
	[tilespmem:$0xC600] =	vst v63  }
0x1fd: {  	s8 =	sadd.s32 $0x8310, s13;
	s14 =	sadd.s32 $0x20, s12  }
0x1fe: {  	[hbm4b:s14+s3] =	stream.linear.scatter [tilespmem:s8], [sflag:$0x9], $0x80, $0x38;
	[tilespmem:$0xC600] =	vst v63  }
0x1ff: {  	s8 =	sadd.s32 $0x8398, s13;
	s14 =	sadd.s32 $0x30, s12  }
0x200: {  	[hbm4b:s14+s3] =	stream.linear.scatter [tilespmem:s8], [sflag:$0x9], $0x80, $0x38;
	[tilespmem:$0xC600] =	vst v63  }
0x201: {  	s8 =	sadd.s32 $0x8420, s13;
	s14 =	sadd.s32 $0x40, s12  }
0x202: {  	[hbm4b:s14+s3] =	stream.linear.scatter [tilespmem:s8], [sflag:$0x9], $0x80, $0x38;
	[tilespmem:$0xC600] =	vst v63  }
.Ltmp7:
0x203: {  	s8 =	sadd.s32 $0x84A8, s13;
	s14 =	sadd.s32 $0x50, s12;
	(pc) =	sbr.rel @p1 .LBB2_13-.Ltmp7, $4  }
0x204: {  	[hbm4b:s14+s3] =	stream.linear.scatter [tilespmem:s8], [sflag:$0x9], $0x80, $0x38;
	[tilespmem:$0xC600] =	vst v63  }
0x205: {  	s8 =	sadd.s32 $0x8530, s13;
	s14 =	sadd.s32 $0x60, s12;
	s13 =	sadd.s32 $0x85B8, s13  }
0x206: {  	[hbm4b:s14+s3] =	stream.linear.scatter [tilespmem:s8], [sflag:$0x9], $0x80, $0x38;
	[tilespmem:$0xC600] =	vst v63  }
0x207: {  	s14 =	sadd.s32 $0x70, s12;
	s12 =	sadd.s32 $0x1000, s12;
	s8 =	smov.u32 s15  }
0x208: {  	[hbm4b:s14+s3] =	stream.linear.scatter [tilespmem:s13], [sflag:$0x9], $0x80, $0x38;
	[tilespmem:$0xC600] =	vst v63  }
0x209: {  	s8 =	sadd.s32 $0x8200, s10  }
0x20a: {  	[hbm4b:s12+s3] =	stream.linear.scatter [tilespmem:s8], [sflag:$0x9], $0x80, $0x38;
	[tilespmem:$0xC600] =	vst v63  }
0x20b: {  	s14 =	sadd.s32 $0x8288, s10;
	s15 =	sadd.s32 $0x10, s12  }
0x20c: {  	[hbm4b:s15+s3] =	stream.linear.scatter [tilespmem:s14], [sflag:$0x9], $0x80, $0x38;
	[tilespmem:$0xC600] =	vst v63  }
0x20d: {  	s14 =	sadd.s32 $0x8310, s10;
	s15 =	sadd.s32 $0x20, s12  }
0x20e: {  	[hbm4b:s15+s3] =	stream.linear.scatter [tilespmem:s14], [sflag:$0x9], $0x80, $0x38;
	[tilespmem:$0xC600] =	vst v63  }
0x20f: {  	s14 =	sadd.s32 $0x8398, s10;
	s15 =	sadd.s32 $0x30, s12  }
0x210: {  	[hbm4b:s15+s3] =	stream.linear.scatter [tilespmem:s14], [sflag:$0x9], $0x80, $0x38;
	[tilespmem:$0xC600] =	vst v63  }
0x211: {  	s14 =	sadd.s32 $0x8420, s10;
	s15 =	sadd.s32 $0x40, s12  }
0x212: {  	[hbm4b:s15+s3] =	stream.linear.scatter [tilespmem:s14], [sflag:$0x9], $0x80, $0x38;
	[tilespmem:$0xC600] =	vst v63  }
0x213: {  	s8 =	rddreg [dreg:$0x9];
	s14 =	sadd.s32 $0x84A8, s10;
	s15 =	sadd.s32 $0x50, s12  }
0x214: {  	[hbm4b:s15+s3] =	stream.linear.scatter [tilespmem:s14], [sflag:$0x9], $0x80, $0x38;
	[tilespmem:$0xC600] =	vst v63  }
0x215: {  	s8 =	sadd.s32 @!p0 s8, s0;
	s14 =	sadd.s32 $0x8530, s10;
	s15 =	sadd.s32 $0x60, s12  }
0x216: {  	[hbm4b:s15+s3] =	stream.linear.scatter [tilespmem:s14], [sflag:$0x9], $0x80, $0x38;
	[tilespmem:$0xC600] =	vst v63  }
0x217: {  	s8 =	sshrl.u32 @!p0 s8, $0x3;
	s14 =	sadd.s32 $0x85B8, s10;
	s15 =	sadd.s32 $0x70, s12  }
0x218: {  	[hbm4b:s15+s3] =	stream.linear.scatter [tilespmem:s14], [sflag:$0x9], $0x80, $0x38;
	[tilespmem:$0xC600] =	vst v63  }
0x219: {  	s8 =	sadd.s32 @!p0 s5, s8;
	s10 =	simm.s32 @!p0 $0x0;
	s12 =	simm.s32 @!p0 $0x100  }
0x21a: {  	[tilespmem:s12], [sflag:$0x3] =	stream.linear.gather @!p0 [hbm4b:s8+s10], $0x80, $0x38;
	[tilespmem:$0xC600] =	vst v63  }
0x21b: {  	_ =	swait.ge [sflag:s28], $0x1000  }
0x21c: {  	[sflag:s28] =	ssyncset.done $0x0  }
0x21d: {  	[sflag:s28] =	ssyncadd.s32 $0xFFFFF000  }
0x21e: {  	_ =	swait.ge [sflag:s28], $0x1000  }
0x21f: {  	[sflag:s28] =	ssyncset.done $0x0  }
0x220: {  	[sflag:s28] =	ssyncadd.s32 $0xFFFFF000  }
0x221: {  	s10 =	simm.s32 $0x0;
	_ =	swait.ge [sflag:s29], $0x2000  }
0x222: {  	v4 =	vmov s10;
	[sflag:s29] =	ssyncset.done $0x0  }
0x223: {  	s10 =	simm.s32 $0x3240;
	v4 =	vand.u32 $0x7C, v4;
	[sflag:s29] =	ssyncadd.s32 $0xFFFFE000  }
0x224: {  	v6 =	vadd.s32 v0, v4;
	v5 =	vld [tilespmem:s10+$0xFFFFFFC0]  }
0x225: {  	s15 =	simm.s32 $0x7240;
	v8 =	vadd.s32 v1, v4;
	v7 =	vld [tilespmem:s10+$0xFFFFFFD0]  }
0x226: {  	v10 =	vadd.s32 v2, v4;
	v9 =	vld [tilespmem:s15+$0xFFFFFFC0]  }
0x227: {  	v4 =	vadd.s32 v3, v4;
	v11 =	vld [tilespmem:s15+$0xFFFFFFD0];
	_ =	sdelay $0x1  }
0x228: {  	[tilespmem:v6+s1+$0x0] =	vst.idx.msk $0xffff, v5  }
0x229: {  	s12 =	simm.s32 $0x1;
	[tilespmem:v8+s1+$0x0] =	vst.idx.msk $0xffff, v7  }
0x22a: {  	v5 =	vmov s12;
	[tilespmem:v10+s1+$0x0] =	vst.idx.msk $0xffff, v9  }
0x22b: {  	[tilespmem:v4+s1+$0x0] =	vst.idx.msk $0xffff, v11;
	v4 =	vand.u32 $0x7D, v5  }
0x22c: {  	v5 =	vld [tilespmem:s10+$0xFFFFFFE0];
	v6 =	vadd.s32 v0, v4  }
0x22d: {  	v7 =	vld [tilespmem:s10+$0xFFFFFFF0];
	v8 =	vadd.s32 v1, v4  }
0x22e: {  	v9 =	vld [tilespmem:s15+$0xFFFFFFE0];
	v60 =	vadd.s32 v2, v4  }
0x22f: {  	v11 =	vld [tilespmem:s15+$0xFFFFFFF0];
	v4 =	vadd.s32 v3, v4;
	_ =	sdelay $0x1  }
0x230: {  	[tilespmem:v6+s1+$0x0] =	vst.idx.msk $0xffff, v5  }
0x231: {  	s13 =	simm.s32 $0x2;
	[tilespmem:v8+s1+$0x0] =	vst.idx.msk $0xffff, v7  }
0x232: {  	v5 =	vmov s13;
	[tilespmem:v60+s1+$0x0] =	vst.idx.msk $0xffff, v9  }
0x233: {  	[tilespmem:v4+s1+$0x0] =	vst.idx.msk $0xffff, v11;
	v4 =	vand.u32 $0x7E, v5  }
0x234: {  	v5 =	vld [tilespmem:s10+$0x0];
	v6 =	vadd.s32 v0, v4  }
0x235: {  	v7 =	vld [tilespmem:s10+$0x10];
	v8 =	vadd.s32 v1, v4  }
0x236: {  	v9 =	vld [tilespmem:s15+$0x0];
	v61 =	vadd.s32 v2, v4  }
0x237: {  	v11 =	vld [tilespmem:s15+$0x10];
	v4 =	vadd.s32 v3, v4;
	_ =	sdelay $0x1  }
0x238: {  	[tilespmem:v6+s1+$0x0] =	vst.idx.msk $0xffff, v5  }
0x239: {  	s14 =	simm.s32 $0x3;
	[tilespmem:v8+s1+$0x0] =	vst.idx.msk $0xffff, v7  }
0x23a: {  	v5 =	vmov s14;
	[tilespmem:v61+s1+$0x0] =	vst.idx.msk $0xffff, v9  }
0x23b: {  	v5 =	vand.u32 $0x7F, v5;
	[tilespmem:v4+s1+$0x0] =	vst.idx.msk $0xffff, v11  }
0x23c: {  	v7 =	vadd.s32 v0, v5;
	v6 =	vld [tilespmem:s10+$0x20]  }
0x23d: {  	v62 =	vadd.s32 v1, v5;
	v8 =	vld [tilespmem:s10+$0x30]  }
0x23e: {  	v63 =	vadd.s32 v2, v5;
	v10 =	vld [tilespmem:s15+$0x20];
	_ =	sdelay $0x1  }
0x23f: {  	v5 =	vadd.s32 v3, v5;
	v4 =	vld [tilespmem:s15+$0x30]  }
0x240: {  	[tilespmem:v7+s1+$0x0] =	vst.idx.msk $0xffff, v6  }
0x241: {  	s12 =	simm.s32 $0x4;
	[tilespmem:v62+s1+$0x0] =	vst.idx.msk $0xffff, v8  }
0x242: {  	s14 =	simm.s32 $0x8;
	v6 =	vmov s12;
	[tilespmem:v63+s1+$0x0] =	vst.idx.msk $0xffff, v10  }
.LBB2_15:
0x243: {  	s10 =	sadd.s32 $0x80, s10  }
0x244: {  	v6 =	vand.u32 $0x7C, v6;
	[tilespmem:v5+s1+$0x0] =	vst.idx.msk $0xffff, v4;
	s15 =	sadd.s32 $0x80, s15;
	s8 =	smov.u32 s14;
	s13 =	sadd.s32 $0x4, s14  }
0x245: {  	p1 =	sne.s32 s14, $0x7C;
	v4 =	vld [tilespmem:s10+$0xFFFFFFC0];
	v5 =	vadd.s32 v0, v6  }
0x246: {  	v8 =	vadd.s32 v1, v6;
	v7 =	vld [tilespmem:s10+$0xFFFFFFD0]  }
0x247: {  	v10 =	vadd.s32 v2, v6;
	v9 =	vld [tilespmem:s15+$0xFFFFFFC0]  }
0x248: {  	v6 =	vadd.s32 v3, v6;
	v11 =	vld [tilespmem:s15+$0xFFFFFFD0];
	_ =	sdelay $0x1  }
0x249: {  	[tilespmem:v5+s1+$0x0] =	vst.idx.msk $0xffff, v4  }
0x24a: {  	s14 =	sadd.s32 $0x1, s12;
	[tilespmem:v8+s1+$0x0] =	vst.idx.msk $0xffff, v7  }
0x24b: {  	v4 =	vmov s14;
	[tilespmem:v10+s1+$0x0] =	vst.idx.msk $0xffff, v9  }
0x24c: {  	v4 =	vand.u32 $0x7D, v4;
	[tilespmem:v6+s1+$0x0] =	vst.idx.msk $0xffff, v11  }
0x24d: {  	v6 =	vadd.s32 v0, v4;
	v5 =	vld [tilespmem:s10+$0xFFFFFFE0]  }
0x24e: {  	v8 =	vadd.s32 v1, v4;
	v7 =	vld [tilespmem:s10+$0xFFFFFFF0]  }
0x24f: {  	v10 =	vadd.s32 v2, v4;
	v9 =	vld [tilespmem:s15+$0xFFFFFFE0]  }
0x250: {  	v4 =	vadd.s32 v3, v4;
	v11 =	vld [tilespmem:s15+$0xFFFFFFF0];
	_ =	sdelay $0x1  }
0x251: {  	[tilespmem:v6+s1+$0x0] =	vst.idx.msk $0xffff, v5  }
0x252: {  	s14 =	sadd.s32 $0x2, s12;
	[tilespmem:v8+s1+$0x0] =	vst.idx.msk $0xffff, v7  }
0x253: {  	v5 =	vmov s14;
	[tilespmem:v10+s1+$0x0] =	vst.idx.msk $0xffff, v9  }
0x254: {  	[tilespmem:v4+s1+$0x0] =	vst.idx.msk $0xffff, v11;
	v4 =	vand.u32 $0x7E, v5  }
0x255: {  	v5 =	vld [tilespmem:s10+$0x0];
	v6 =	vadd.s32 v0, v4  }
0x256: {  	v8 =	vadd.s32 v1, v4;
	v7 =	vld [tilespmem:s10+$0x10]  }
0x257: {  	v10 =	vadd.s32 v2, v4;
	v9 =	vld [tilespmem:s15+$0x0]  }
0x258: {  	v4 =	vadd.s32 v3, v4;
	v11 =	vld [tilespmem:s15+$0x10];
	_ =	sdelay $0x1  }
0x259: {  	[tilespmem:v6+s1+$0x0] =	vst.idx.msk $0xffff, v5  }
0x25a: {  	s14 =	sadd.s32 $0x3, s12;
	s12 =	smov.u32 s8;
	[tilespmem:v8+s1+$0x0] =	vst.idx.msk $0xffff, v7  }
0x25b: {  	v5 =	vmov s14;
	[tilespmem:v10+s1+$0x0] =	vst.idx.msk $0xffff, v9  }
0x25c: {  	v5 =	vand.u32 $0x7F, v5;
	[tilespmem:v4+s1+$0x0] =	vst.idx.msk $0xffff, v11  }
0x25d: {  	v7 =	vadd.s32 v0, v5;
	v6 =	vld [tilespmem:s10+$0x20]  }
0x25e: {  	v9 =	vadd.s32 v1, v5;
	v8 =	vld [tilespmem:s10+$0x30]  }
0x25f: {  	v11 =	vadd.s32 v2, v5;
	v10 =	vld [tilespmem:s15+$0x20]  }
.Ltmp8:
0x260: {  	v5 =	vadd.s32 v3, v5;
	v4 =	vld [tilespmem:s15+$0x30];
	(pc) =	sbr.rel @p1 .LBB2_15-.Ltmp8, $4  }
0x261: {  	_ = 	snop  }
0x262: {  	[tilespmem:v7+s1+$0x0] =	vst.idx.msk $0xffff, v6  }
0x263: {  	[tilespmem:v9+s1+$0x0] =	vst.idx.msk $0xffff, v8  }
0x264: {  	s14 =	smov.u32 s13;
	v6 =	vmov s12;
	[tilespmem:v11+s1+$0x0] =	vst.idx.msk $0xffff, v10  }
0x265: {  	_ =	sdelay $0x3  }
0x266: {  	v6 =	vand.u32 $0x7C, v6;
	[tilespmem:v5+s1+$0x0] =	vst.idx.msk $0xffff, v4;
	s8 =	sadd.s32 $0x80, s10  }
0x267: {  	v4 =	vld [tilespmem:s8+$0xFFFFFFC0];
	v5 =	vadd.s32 v0, v6  }
0x268: {  	s10 =	sadd.s32 $0x80, s15;
	v7 =	vld [tilespmem:s8+$0xFFFFFFD0];
	v8 =	vadd.s32 v1, v6  }
0x269: {  	v9 =	vld [tilespmem:s10+$0xFFFFFFC0];
	v10 =	vadd.s32 v2, v6  }
0x26a: {  	v11 =	vld [tilespmem:s10+$0xFFFFFFD0];
	v6 =	vadd.s32 v3, v6;
	_ =	sdelay $0x1  }
0x26b: {  	[tilespmem:v5+s1+$0x0] =	vst.idx.msk $0xffff, v4  }
0x26c: {  	s13 =	sadd.s32 $0x1, s12;
	[tilespmem:v8+s1+$0x0] =	vst.idx.msk $0xffff, v7  }
0x26d: {  	v4 =	vmov s13;
	[tilespmem:v10+s1+$0x0] =	vst.idx.msk $0xffff, v9  }
0x26e: {  	v4 =	vand.u32 $0x7D, v4;
	[tilespmem:v6+s1+$0x0] =	vst.idx.msk $0xffff, v11  }
0x26f: {  	v55 =	vadd.s32 v0, v4;
	v5 =	vld [tilespmem:s8+$0xFFFFFFE0]  }
0x270: {  	v56 =	vadd.s32 v1, v4;
	v7 =	vld [tilespmem:s8+$0xFFFFFFF0]  }
0x271: {  	v57 =	vadd.s32 v2, v4;
	v9 =	vld [tilespmem:s10+$0xFFFFFFE0]  }
0x272: {  	v4 =	vadd.s32 v3, v4;
	v11 =	vld [tilespmem:s10+$0xFFFFFFF0];
	_ =	sdelay $0x1  }
0x273: {  	[tilespmem:v55+s1+$0x0] =	vst.idx.msk $0xffff, v5  }
0x274: {  	s14 =	sadd.s32 $0x2, s12;
	[tilespmem:v56+s1+$0x0] =	vst.idx.msk $0xffff, v7  }
0x275: {  	v5 =	vmov s14;
	[tilespmem:v57+s1+$0x0] =	vst.idx.msk $0xffff, v9  }
0x276: {  	[tilespmem:v4+s1+$0x0] =	vst.idx.msk $0xffff, v11;
	v4 =	vand.u32 $0x7E, v5  }
0x277: {  	v5 =	vld [tilespmem:s8+$0x0];
	v58 =	vadd.s32 v0, v4  }
0x278: {  	v7 =	vld [tilespmem:s8+$0x10];
	v59 =	vadd.s32 v1, v4  }
0x279: {  	v9 =	vld [tilespmem:s10+$0x0];
	v60 =	vadd.s32 v2, v4  }
0x27a: {  	v11 =	vld [tilespmem:s10+$0x10];
	v4 =	vadd.s32 v3, v4;
	_ =	sdelay $0x1  }
0x27b: {  	[tilespmem:v58+s1+$0x0] =	vst.idx.msk $0xffff, v5  }
0x27c: {  	s15 =	sadd.s32 $0x3, s12;
	[tilespmem:v59+s1+$0x0] =	vst.idx.msk $0xffff, v7  }
0x27d: {  	v5 =	vmov s15;
	[tilespmem:v60+s1+$0x0] =	vst.idx.msk $0xffff, v9  }
0x27e: {  	[tilespmem:v4+s1+$0x0] =	vst.idx.msk $0xffff, v11;
	v4 =	vand.u32 $0x7F, v5  }
0x27f: {  	v5 =	vld [tilespmem:s8+$0x20];
	v61 =	vadd.s32 v0, v4  }
0x280: {  	v7 =	vld [tilespmem:s8+$0x30];
	v62 =	vadd.s32 v1, v4  }
0x281: {  	v9 =	vld [tilespmem:s10+$0x20];
	v63 =	vadd.s32 v2, v4  }
0x282: {  	v11 =	vld [tilespmem:s10+$0x30];
	v4 =	vadd.s32 v3, v4;
	_ =	sdelay $0x1  }
0x283: {  	[tilespmem:v61+s1+$0x0] =	vst.idx.msk $0xffff, v5  }
0x284: {  	[tilespmem:v62+s1+$0x0] =	vst.idx.msk $0xffff, v7  }
0x285: {  	[tilespmem:v63+s1+$0x0] =	vst.idx.msk $0xffff, v9  }
0x286: {  	s12 =	simm.s32 $0xA400;
	s10 =	sadd.s32 s9, s18;
	[tilespmem:v4+s1+$0x0] =	vst.idx.msk $0xffff, v11  }
0x287: {  	[hbm4b:s10+s3] =	stream.linear.scatter [tilespmem:s12], [sflag:$0xA], $0x80, $0x38;
	[tilespmem:$0xC600] =	vst v63  }
0x288: {  	s13 =	simm.s32 $0xA488;
	s9 =	sadd.s32 $0x10, s10  }
0x289: {  	[hbm4b:s9+s3] =	stream.linear.scatter [tilespmem:s13], [sflag:$0xA], $0x80, $0x38;
	[tilespmem:$0xC600] =	vst v63  }
0x28a: {  	s14 =	simm.s32 $0xA510;
	s8 =	simm.s32 $0x2200;
	s15 =	sadd.s32 $0x20, s10  }
0x28b: {  	[hbm4b:s15+s3] =	stream.linear.scatter [tilespmem:s14], [sflag:$0xA], $0x80, $0x38;
	[tilespmem:$0xC600] =	vst v63  }
0x28c: {  	s12 =	simm.s32 $0xA598;
	s13 =	sadd.s32 $0x30, s10;
	s9 =	simm.s32 $0x440  }
0x28d: {  	[hbm4b:s13+s3] =	stream.linear.scatter [tilespmem:s12], [sflag:$0xA], $0x80, $0x38;
	[tilespmem:$0xC600] =	vst v63  }
0x28e: {  	s14 =	simm.s32 $0xA620;
	s15 =	sadd.s32 $0x40, s10;
	s12 =	simm.s32 $0xA6A8  }
0x28f: {  	[hbm4b:s15+s3] =	stream.linear.scatter [tilespmem:s14], [sflag:$0xA], $0x80, $0x38;
	[tilespmem:$0xC600] =	vst v63  }
0x290: {  	s13 =	sadd.s32 $0x50, s10;
	s14 =	simm.s32 $0xA730;
	s15 =	sadd.s32 $0x60, s10  }
0x291: {  	[hbm4b:s13+s3] =	stream.linear.scatter [tilespmem:s12], [sflag:$0xA], $0x80, $0x38;
	[tilespmem:$0xC600] =	vst v63  }
0x292: {  	s12 =	simm.s32 $0xA7B8;
	s13 =	sadd.s32 $0x70, s10;
	s10 =	sadd.s32 $0x1000, s10  }
0x293: {  	[hbm4b:s15+s3] =	stream.linear.scatter [tilespmem:s14], [sflag:$0xA], $0x80, $0x38;
	[tilespmem:$0xC600] =	vst v63  }
.LBB2_17:
0x294: {  	[hbm4b:s13+s3] =	stream.linear.scatter [tilespmem:s12], [sflag:$0xA], $0x80, $0x38;
	[tilespmem:$0xC600] =	vst v63  }
0x295: {  	s12 =	smov.u32 s9;
	s9 =	smov.u32 s8  }
0x296: {  	s14 =	sadd.s32 $0x1100, s8;
	s9 =	sshra.s32 s9, $0x2;
	s13 =	sadd.s32 $0xA400, s12  }
0x297: {  	[hbm4b:s10+s3] =	stream.linear.scatter [tilespmem:s13], [sflag:$0xA], $0x80, $0x38;
	[tilespmem:$0xC600] =	vst v63  }
0x298: {  	p1 =	sne.s32 s8, $0x7700;
	s8 =	sadd.s32 $0xA488, s12;
	s13 =	sadd.s32 $0x10, s10  }
0x299: {  	[hbm4b:s13+s3] =	stream.linear.scatter [tilespmem:s8], [sflag:$0xA], $0x80, $0x38;
	[tilespmem:$0xC600] =	vst v63  }
0x29a: {  	s8 =	sadd.s32 $0xA510, s12;
	s13 =	sadd.s32 $0x20, s10  }
0x29b: {  	[hbm4b:s13+s3] =	stream.linear.scatter [tilespmem:s8], [sflag:$0xA], $0x80, $0x38;
	[tilespmem:$0xC600] =	vst v63  }
0x29c: {  	s8 =	sadd.s32 $0xA598, s12;
	s13 =	sadd.s32 $0x30, s10  }
0x29d: {  	[hbm4b:s13+s3] =	stream.linear.scatter [tilespmem:s8], [sflag:$0xA], $0x80, $0x38;
	[tilespmem:$0xC600] =	vst v63  }
0x29e: {  	s8 =	sadd.s32 $0xA620, s12;
	s13 =	sadd.s32 $0x40, s10  }
0x29f: {  	[hbm4b:s13+s3] =	stream.linear.scatter [tilespmem:s8], [sflag:$0xA], $0x80, $0x38;
	[tilespmem:$0xC600] =	vst v63  }
.Ltmp9:
0x2a0: {  	s8 =	sadd.s32 $0xA6A8, s12;
	s13 =	sadd.s32 $0x50, s10;
	(pc) =	sbr.rel @p1 .LBB2_17-.Ltmp9, $4  }
0x2a1: {  	[hbm4b:s13+s3] =	stream.linear.scatter [tilespmem:s8], [sflag:$0xA], $0x80, $0x38;
	[tilespmem:$0xC600] =	vst v63  }
0x2a2: {  	s8 =	sadd.s32 $0xA730, s12;
	s13 =	sadd.s32 $0x60, s10;
	s12 =	sadd.s32 $0xA7B8, s12  }
0x2a3: {  	[hbm4b:s13+s3] =	stream.linear.scatter [tilespmem:s8], [sflag:$0xA], $0x80, $0x38;
	[tilespmem:$0xC600] =	vst v63  }
0x2a4: {  	s13 =	sadd.s32 $0x70, s10;
	s10 =	sadd.s32 $0x1000, s10;
	s8 =	smov.u32 s14  }
0x2a5: {  	[hbm4b:s13+s3] =	stream.linear.scatter [tilespmem:s12], [sflag:$0xA], $0x80, $0x38;
	[tilespmem:$0xC600] =	vst v63  }
0x2a6: {  	s8 =	sadd.s32 $0xA400, s9  }
0x2a7: {  	[hbm4b:s10+s3] =	stream.linear.scatter [tilespmem:s8], [sflag:$0xA], $0x80, $0x38;
	[tilespmem:$0xC600] =	vst v63  }
0x2a8: {  	s14 =	sadd.s32 $0xA488, s9;
	s15 =	sadd.s32 $0x10, s10  }
0x2a9: {  	[hbm4b:s15+s3] =	stream.linear.scatter [tilespmem:s14], [sflag:$0xA], $0x80, $0x38;
	[tilespmem:$0xC600] =	vst v63  }
0x2aa: {  	s12 =	sadd.s32 $0xA510, s9;
	s13 =	sadd.s32 $0x20, s10  }
0x2ab: {  	[hbm4b:s13+s3] =	stream.linear.scatter [tilespmem:s12], [sflag:$0xA], $0x80, $0x38;
	[tilespmem:$0xC600] =	vst v63  }
0x2ac: {  	s14 =	sadd.s32 $0xA598, s9;
	s15 =	sadd.s32 $0x30, s10  }
0x2ad: {  	[hbm4b:s15+s3] =	stream.linear.scatter [tilespmem:s14], [sflag:$0xA], $0x80, $0x38;
	[tilespmem:$0xC600] =	vst v63  }
0x2ae: {  	s12 =	sadd.s32 $0xA620, s9;
	s13 =	sadd.s32 $0x40, s10  }
0x2af: {  	[hbm4b:s13+s3] =	stream.linear.scatter [tilespmem:s12], [sflag:$0xA], $0x80, $0x38;
	[tilespmem:$0xC600] =	vst v63  }
0x2b0: {  	s14 =	sadd.s32 $0xA6A8, s9;
	s15 =	sadd.s32 $0x50, s10  }
0x2b1: {  	[hbm4b:s15+s3] =	stream.linear.scatter [tilespmem:s14], [sflag:$0xA], $0x80, $0x38;
	[tilespmem:$0xC600] =	vst v63  }
.Ltmp10:
0x2b2: {  	_ = 	snop;
	(pc) =	sbr.rel @p0 .LBB2_20-.Ltmp10, $4  }
0x2b3: {  	s12 =	sadd.s32 $0xA730, s9;
	s13 =	sadd.s32 $0x60, s10  }
0x2b4: {  	[hbm4b:s13+s3] =	stream.linear.scatter [tilespmem:s12], [sflag:$0xA], $0x80, $0x38;
	[tilespmem:$0xC600] =	vst v63  }
0x2b5: {  	s14 =	sadd.s32 $0xA7B8, s9;
	s15 =	sadd.s32 $0x70, s10  }
0x2b6: {  	[hbm4b:s15+s3] =	stream.linear.scatter [tilespmem:s14], [sflag:$0xA], $0x80, $0x38;
	[tilespmem:$0xC600] =	vst v63  }
0x2b7: {  	s8 =	rddreg [dreg:$0xa]  }
0x2b8: {  	s0 =	sadd.s32 s8, s0  }
0x2b9: {  	s0 =	sshrl.u32 s0, $0x3  }
0x2ba: {  	s0 =	sadd.s32 s5, s0  }
0x2bb: {  	[tilespmem:s22], [sflag:$0x4] =	stream.linear.gather [hbm4b:s0+s3], $0x80, $0x38;
	[tilespmem:$0xC600] =	vst v63  }
0x2bc: {  	_ =	swait.ge [sflag:s23], $0x80  }
0x2bd: {  	[sflag:s23] =	ssyncset.done $0x0  }
0x2be: {  	s15 =	simm.s32 $0x200;
	[sflag:s23] =	ssyncadd.s32 $0xFFFFFF80  }
0x2bf: {  	[tilespmem:s15], [sflag:$0x5] =	stream.indirect.gather [hbm4b:s4+s20], $0x20, s3, s20, $0xb8;
	[tilespmem:$0xC600] =	vst v63  }
0x2c0: {  	s8 =	simm.s32 $0x4200  }
0x2c1: {  	[tilespmem:s8], [sflag:$0x5] =	stream.indirect.gather [hbm4b:s6+s20], $0x20, s3, s20, $0xb8;
	[tilespmem:$0xC600] =	vst v63  }
0x2c2: {  	_ =	swait.ge [sflag:s26], $0x80  }
0x2c3: {  	[sflag:s26] =	ssyncset.done $0x0  }
0x2c4: {  	s9 =	simm.s32 $0x1200;
	[sflag:s26] =	ssyncadd.s32 $0xFFFFFF80  }
0x2c5: {  	[tilespmem:s9], [sflag:$0x6] =	stream.indirect.gather [hbm4b:s4+s20], $0x20, s20, s20, $0xb8;
	[tilespmem:$0xC600] =	vst v63  }
0x2c6: {  	s10 =	simm.s32 $0x5200  }
0x2c7: {  	[tilespmem:s10], [sflag:$0x6] =	stream.indirect.gather [hbm4b:s6+s20], $0x20, s20, s20, $0xb8;
	[tilespmem:$0xC600] =	vst v63  }
0x2c8: {  	_ =	swait.ge [sflag:s30], $0x80  }
0x2c9: {  	[sflag:s30] =	ssyncset.done $0x0  }
0x2ca: {  	s12 =	simm.s32 $0x2200;
	[sflag:s30] =	ssyncadd.s32 $0xFFFFFF80  }
0x2cb: {  	[tilespmem:s12], [sflag:$0x7] =	stream.indirect.gather [hbm4b:s4+s20], $0x20, s21, s20, $0xb8;
	[tilespmem:$0xC600] =	vst v63  }
0x2cc: {  	s13 =	simm.s32 $0x6200  }
0x2cd: {  	[tilespmem:s13], [sflag:$0x7] =	stream.indirect.gather [hbm4b:s6+s20], $0x20, s21, s20, $0xb8;
	[tilespmem:$0xC600] =	vst v63  }
0x2ce: {  	_ =	swait.ge [sflag:s2], $0x80  }
.Ltmp11:
0x2cf: {  	[sflag:s2] =	ssyncset.done $0x0;
	(pc) =	sbr.rel .LBB2_2-.Ltmp11, $4  }
0x2d0: {  	s14 =	simm.s32 $0x3200;
	[sflag:s2] =	ssyncadd.s32 $0xFFFFFF80  }
0x2d1: {  	[tilespmem:s14], [sflag:$0x8] =	stream.indirect.gather [hbm4b:s4+s20], $0x20, s22, s20, $0xb8;
	[tilespmem:$0xC600] =	vst v63  }
0x2d2: {  	s31 =	sadd.s32 $0x1, s31;
	s15 =	simm.s32 $0x7200  }
0x2d3: {  	[tilespmem:s15], [sflag:$0x8] =	stream.indirect.gather [hbm4b:s6+s20], $0x20, s22, s20, $0xb8;
	[tilespmem:$0xC600] =	vst v63  }
.LBB2_21:
0x2d4: {  	_ =	sfence.sel $0x180000  }
0x2d5: {  	[bflag:$0x0] =	sbarrier.arrive $0xFFFF  }
0x2d6: {  	_ =	strace $0x90000047  }
0x2d7: {  	s0 =	stileid.u32;
	[bflag:$0x2] =	sbarrier.arrive $0xFFFF  }
0x2d8: {  	p0 =	sne.s32 s0, $0x0;
	s0 =	rddreg [dreg:$0x2]  }
0x2d9: {  	s0 =	sadd.s32 @!p0 $0x100000, s0  }
0x2da: {  	[sflag:s0] =	ssyncadd.tile.s32 @!p0 $0x1;
	_ =	shalt  }
.Lfunc_end2:
_tile_overlayer_lowered:
.L_overlay_start_2:
0x2db: {  	(tag) =	ssettag $0x2  }
0x2dc: {  	s0 =	rddreg [dreg:$0x0];
	s2 =	stileid.u32  }
0x2dd: {  	s1 =	rddreg [dreg:$0x1];
	p0 =	sne.s32 s2, $0x0  }
0x2de: {  	s3 =	rddreg [dreg:$0x2];
	[bflag:$0x3] =	sbarrier.arrive $0xFFFF;
	s2 =	simm.s32 @!p0 $0x1C0B  }
0x2df: {  	[timem:s3], [sflag:s2] =	dma.local @!p0 [hbm:s0], s1  }
0x2e0: {  	s0 =	simm.s32 @!p0 $0xB  }
0x2e1: {  	_ =	swait.ge @!p0 [sflag:s0], s1  }
0x2e2: {  	s1 =	ssub.s32 @!p0 $0x0, s1;
	[sflag:s0] =	ssyncset.done @!p0 $0x0  }
0x2e3: {  	[sflag:s0] =	ssyncadd.s32 @!p0 s1  }
0x2e4: {  	[bflag:$0x3] =	sbarrier.arrive $0xFFFF  }
0x2e5: {  	_ =	shalt  }

</sc_bundles>
